<compile_context>
chip_gen: v7x
topology: tpu7x:2x2x1
jax: 0.10.2.dev20260603
libtpu: 0.0.44.dev20260713+nightly
codegen_flags: <defaults>
</compile_context>

<pallas_src>
import functools

import jax
import jax.numpy as jnp
from jax import lax
from jax.experimental import pallas as pl
from jax.experimental.pallas import tpu as pltpu
from jax.experimental.pallas import tpu_sc as plsc

N = 10000
E = 320000
D = 128
DE = 16
G = 16

NC = 2
NS = 16
NW = NC * NS
EPW = E // NW
LANES = 16
NVECS = N // LANES
VECS = EPW // LANES

ROWS = 4
EB = E // ROWS
EPWP = EPW + 112
NP = N + 112
CH0 = 4992
CH1 = EPW - CH0
CW = 5120


def _proj_body(et_ref, edg_ref, x_ref, g_ref, wet_ref, wnt_ref,
               wns_ref, be_ref,
               pe_ref, src_ref, dst_ref, p2_ref, p3_ref, xw_ref, pg_ref):
    i = pl.program_id(0)
    wl = wns_ref[0, D]
    wes = wet_ref[...] * wl

    y = lax.dot_general(wes[:, 0:DE], et_ref[...],
                        (((1,), (0,)), ((), ())),
                        preferred_element_type=jnp.float32)
    pe_ref[...] = y + be_ref[0, 0] * wl

    src_ref[...] = edg_ref[0:1, :]
    dst_ref[...] = edg_ref[1:2, :]

    @pl.when(i == 0)
    def _():
        wxt = jnp.concatenate(
            [wes[:, DE:DE + D], wes[:, DE + D:DE + 2 * D],
             wnt_ref[:, 0:D]], axis=0)
        xp = lax.dot_general(wxt, x_ref[...],
                             (((1,), (1,)), ((), ())),
                             preferred_element_type=jnp.float32)
        p2_ref[0:1, 0:N] = xp[0:1, :]
        p3_ref[0:1, 0:N] = xp[1:2, :]
        xw_ref[0:1, 0:N] = xp[2:3, :]
        pg_ref[...] = lax.dot_general(wes[:, DE + 2 * D:DE + 2 * D + 64],
                                      g_ref[...],
                                      (((1,), (1,)), ((), ())),
                                      preferred_element_type=jnp.float32)


def _projections(et, edges, x, g, W_edge, W_node, be):
    return pl.pallas_call(
        _proj_body,
        grid=(ROWS,),
        in_specs=[
            pl.BlockSpec((DE, EB), lambda i: (0, i)),
            pl.BlockSpec((2, EB), lambda i: (0, i)),
            pl.BlockSpec((N, D), lambda i: (0, 0)),
            pl.BlockSpec((G, 64), lambda i: (0, 0)),
            pl.BlockSpec((1, DE + 2 * D + 64), lambda i: (0, 0)),
            pl.BlockSpec((1, D + 1), lambda i: (0, 0)),
            pl.BlockSpec(memory_space=pltpu.SMEM),
            pl.BlockSpec(memory_space=pltpu.SMEM),
        ],
        out_specs=[
            pl.BlockSpec((1, EB), lambda i: (0, i)),
            pl.BlockSpec((1, EB), lambda i: (0, i)),
            pl.BlockSpec((1, EB), lambda i: (0, i)),
            pl.BlockSpec((1, NP), lambda i: (0, 0)),
            pl.BlockSpec((1, NP), lambda i: (0, 0)),
            pl.BlockSpec((1, NP), lambda i: (0, 0)),
            pl.BlockSpec((1, G), lambda i: (0, 0)),
        ],
        out_shape=[
            jax.ShapeDtypeStruct((1, E), jnp.float32),
            jax.ShapeDtypeStruct((1, E), jnp.int32),
            jax.ShapeDtypeStruct((1, E), jnp.int32),
            jax.ShapeDtypeStruct((1, NP), jnp.float32),
            jax.ShapeDtypeStruct((1, NP), jnp.float32),
            jax.ShapeDtypeStruct((1, NP), jnp.float32),
            jax.ShapeDtypeStruct((1, G), jnp.float32),
        ],
    )(et, edges, x, g, W_edge.T, W_node.T, W_node.T, be)


def _edge_body(src_hbm, dst_hbm, ei_hbm, pe_hbm, p2_hbm, p3_hbm, pg_hbm,
               xw_hbm, out_hbm,
               src_v, dst_v, ei_v, pe_v, p2_v, p3_v, pg_v, acc_v,
               sem, sem2):
    wid = lax.axis_index("s") * NC + lax.axis_index("c")
    base = wid * EPW

    bases = (base, base + CH0)
    sizes = (CH0, CH1)
    cols = []
    deltas = []
    for c in range(2):
        c0 = pl.multiple_of((bases[c] // 128) * 128, 128)
        cols.append(c0)
        deltas.append(bases[c] - c0)

    def fire(c, s):
        off = c * CH0
        return [
            pltpu.async_copy(src_hbm.at[0, pl.ds(cols[c], CW)],
                             src_v.at[pl.ds(c * CW, CW)], s),
            pltpu.async_copy(dst_hbm.at[0, pl.ds(cols[c], CW)],
                             dst_v.at[pl.ds(c * CW, CW)], s),
            pltpu.async_copy(ei_hbm.at[pl.ds(bases[c], sizes[c])],
                             ei_v.at[pl.ds(off, sizes[c])], s),
            pltpu.async_copy(pe_hbm.at[0, pl.ds(cols[c], CW)],
                             pe_v.at[pl.ds(c * CW, CW)], s),
        ]

    cps = fire(0, sem) + [
        pltpu.async_copy(p2_hbm.at[0, pl.ds(0, NP)], p2_v, sem),
        pltpu.async_copy(p3_hbm.at[0, pl.ds(0, NP)], p3_v, sem),
        pltpu.async_copy(pg_hbm.at[0, pl.ds(0, G)], pg_v, sem),
    ]
    cps2 = fire(1, sem2)

    @pl.when(wid == 0)
    def _():
        pltpu.sync_copy(xw_hbm.at[0, pl.ds(0, NP)], acc_v)

    @pl.when(wid != 0)
    def _():
        zeros = jnp.zeros((LANES,), jnp.float32)

        @plsc.parallel_loop(0, NP // LANES, 1, unroll=8)
        def zbody(j):
            acc_v[pl.ds(j * LANES, LANES)] = zeros

    for c in cps:
        c.wait()

    def run_chunk(c, nvec):
        delta = deltas[c]
        cbase = c * CW
        ebase = c * CH0

        @plsc.parallel_loop(0, nvec, 1, unroll=8)
        def body(j):
            sl = pl.ds(cbase + delta + j * LANES, LANES)
            s = src_v[sl]
            d = dst_v[sl]
            gi = ei_v[pl.ds(ebase + j * LANES, LANES)]
            v = pe_v[sl]
            v = v + plsc.load_gather(p2_v, [s])
            v = v + plsc.load_gather(p3_v, [d])
            v = v + plsc.load_gather(pg_v, [gi])
            plsc.addupdate_scatter(acc_v, [d], v)

    run_chunk(0, CH0 // LANES)
    for c in cps2:
        c.wait()
    run_chunk(1, CH1 // LANES)

    pltpu.sync_copy(acc_v, out_hbm.at[wid])


@functools.partial(
    pl.kernel,
    out_type=jax.ShapeDtypeStruct((NW, NP), jnp.float32),
    mesh=plsc.VectorSubcoreMesh(core_axis_name="c", subcore_axis_name="s",
                                num_cores=NC, num_subcores=NS),
    compiler_params=pltpu.CompilerParams(needs_layout_passes=False),
    scratch_types=[
        pltpu.VMEM((2 * CW,), jnp.int32),
        pltpu.VMEM((2 * CW,), jnp.int32),
        pltpu.VMEM((EPW,), jnp.int32),
        pltpu.VMEM((2 * CW,), jnp.float32),
        pltpu.VMEM((NP,), jnp.float32),
        pltpu.VMEM((NP,), jnp.float32),
        pltpu.VMEM((G,), jnp.float32),
        pltpu.VMEM((NP,), jnp.float32),
        pltpu.SemaphoreType.DMA,
        pltpu.SemaphoreType.DMA,
    ],
)
def _edge_agg(src, dst, ei, pe, p2, p3, pg, xw, out,
              src_v, dst_v, ei_v, pe_v, p2_v, p3_v, pg_v, acc_v, sem, sem2):
    _edge_body(src, dst, ei, pe, p2, p3, pg, xw, out,
               src_v, dst_v, ei_v, pe_v, p2_v, p3_v, pg_v, acc_v, sem, sem2)


def _reduce_body(p_ref, bn_ref, out_ref):
    out_ref[...] = (
        jnp.sum(p_ref[:, 0:N], axis=0, keepdims=True) + bn_ref[0, 0]
    )


def _reduce_partials(partials, bn):
    return pl.pallas_call(
        _reduce_body,
        in_specs=[
            pl.BlockSpec((NW, NP), lambda: (0, 0)),
            pl.BlockSpec(memory_space=pltpu.SMEM),
        ],
        out_specs=pl.BlockSpec((1, N), lambda: (0, 0)),
        out_shape=jax.ShapeDtypeStruct((1, N), jnp.float32),
    )(partials, bn)


def kernel(x, e, g, edges, edge_idx, node_idx, W_edge, b_edge, W_node, b_node):
    del node_idx
    be = b_edge.reshape(1, 1)
    bn = b_node.reshape(1, 1)

    pe, src2, dst2, p2o, p3o, xwo, pgp = _projections(
        e.T, edges, x, g, W_edge, W_node, be)

    partials = _edge_agg(src2, dst2, edge_idx, pe, p2o, p3o, pgp, xwo)
    out = _reduce_partials(partials, bn)
    return out.reshape(N, 1)

# --- scband reference (transcript-rebuilt; emitter-appended) ---
"""Pipeline reference for scband-message-passing-82669530513908 (READ-ONLY COPY).

The authoritative reference and input builder live on the scoring server;
editing this copy changes nothing except your own understanding.
"""

import jax, jax.numpy as jnp
import numpy as np

N = 10000   # n_nodes
E = 320000  # n_edges
D = 128     # d_feat
DE = 16     # d_edge
G = 16      # n_graphs in batch
DG = 64     # d_glob


def setup_inputs(seed: int = 0) -> dict:
    key = jax.random.key(seed)
    ks = jax.random.split(key, 10)
    x = jax.random.normal(ks[0], (N, D), dtype=jnp.float32)
    e = jax.random.normal(ks[1], (E, DE), dtype=jnp.float32)
    g = jax.random.normal(ks[2], (G, DG), dtype=jnp.float32)
    edges = jax.random.randint(ks[3], (2, E), 0, N, dtype=jnp.int32)
    edge_idx = jnp.sort(jax.random.randint(ks[4], (E,), 0, G, dtype=jnp.int32))
    node_idx = jnp.sort(jax.random.randint(ks[5], (N,), 0, G, dtype=jnp.int32))
    # Flex(nn.Linear)(..., 1) weights, shapes inferred from first forward:
    # edge linear input = d_edge + d_feat(src) + d_feat(dst) + d_glob = 16+128+128+64 = 336
    W_edge = jax.random.normal(ks[6], (DE + 2 * D + DG, 1), dtype=jnp.float32) * 0.05
    b_edge = jnp.zeros((1,), dtype=jnp.float32)
    # node linear input = d_feat + 1 (aggregated edge output) = 129
    W_node = jax.random.normal(ks[7], (D + 1, 1), dtype=jnp.float32) * 0.05
    b_node = jnp.zeros((1,), dtype=jnp.float32)
    return {
        'x': x, 'e': e, 'g': g,
        'edges': edges, 'edge_idx': edge_idx, 'node_idx': node_idx,
        'W_edge': W_edge, 'b_edge': b_edge,
        'W_node': W_node, 'b_node': b_node,
    }


def reference(x, e, g, edges, edge_idx, node_idx, W_edge, b_edge, W_node, b_node):
    # propogate(self.node, data):
    #   edge module input (registration order):
    #     [data.e, data.x[edges[0]], data.x[edges[1]], data.g[edge_idx]]
    edge_in = jnp.concatenate([e, x[edges[0]], x[edges[1]], g[edge_idx]], axis=1)
    edge_out = edge_in @ W_edge + b_edge  # [E, 1]
    # edge_to_node_agg: Aggregator('add') -> scatter-add onto dst nodes (edges[1])
    agg = jax.ops.segment_sum(edge_out, edges[1], num_segments=x.shape[0])  # [N, 1]
    # node module input: cat([data.x, agg], dim=1)
    node_in = jnp.concatenate([x, agg], axis=1)
    out = node_in @ W_node + b_node  # [N, 1]
    return out

if __name__ == "__main__":
    import jax
    _d = setup_inputs()
    print(jax.jit(kernel)(*tuple(_d.values())))

</pallas_src>

<mosaic_0001>
#map = affine_map<(d0, d1) -> (0, 0)>
#map1 = affine_map<(d0, d1) -> (0)>
module attributes {stable_mosaic.version = 14 : i64} {
  func.func @_edge_agg(%arg0: i32, %arg1: i32, %arg2: memref<1x320000xi32, #tpu.memory_space<hbm>>, %arg3: memref<1x320000xi32, #tpu.memory_space<hbm>>, %arg4: memref<320000xi32, #tpu.memory_space<hbm>>, %arg5: memref<1x320000xf32, #tpu.memory_space<hbm>>, %arg6: memref<1x10112xf32, #tpu.memory_space<hbm>>, %arg7: memref<1x10112xf32, #tpu.memory_space<hbm>>, %arg8: memref<1x16xf32, #tpu.memory_space<hbm>>, %arg9: memref<1x10112xf32, #tpu.memory_space<hbm>>, %arg10: memref<32x10112xf32, #tpu.memory_space<hbm>>, %arg11: memref<10240xi32, #tpu.memory_space<vmem>>, %arg12: memref<10240xi32, #tpu.memory_space<vmem>>, %arg13: memref<10000xi32, #tpu.memory_space<vmem>>, %arg14: memref<10240xf32, #tpu.memory_space<vmem>>, %arg15: memref<10112xf32, #tpu.memory_space<vmem>>, %arg16: memref<10112xf32, #tpu.memory_space<vmem>>, %arg17: memref<16xf32, #tpu.memory_space<vmem>>, %arg18: memref<10112xf32, #tpu.memory_space<vmem>>, %arg19: memref<!tpu.dma_semaphore, #tpu.memory_space<semaphore_mem>>, %arg20: memref<!tpu.dma_semaphore, #tpu.memory_space<semaphore_mem>>) attributes {dimension_semantics = [#tpu.dimension_semantics<core_parallel>, #tpu.dimension_semantics<subcore_parallel>], iteration_bounds = array<i64: 2, 16>, scalar_prefetch = 0 : i64, scratch_operands = 10 : i64, tpu.core_type = #tpu.core_type<sc_vector_subcore>, window_params = [{transform_indices = #map}, {transform_indices = #map}, {transform_indices = #map1}, {transform_indices = #map}, {transform_indices = #map}, {transform_indices = #map}, {transform_indices = #map}, {transform_indices = #map}, {transform_indices = #map}]} {
    %mul3A = arith.constant 2 : i32
    %mul3A_0 = arith.muli %arg1, %mul3A : i32
    %add3A = arith.addi %mul3A_0, %arg0 : i32
    %mul3A_1 = arith.constant 10000 : i32
    %mul3A_2 = arith.muli %add3A, %mul3A_1 : i32
    %add3A_3 = arith.constant 4992 : i32
    %add3A_4 = arith.addi %mul3A_2, %add3A_3 : i32
    %jit3A = arith.constant 128 : i32
    %div3A = arith.divsi %mul3A_2, %jit3A : i32
    %sign3A = arith.constant 0 : i32
    %sign3A_5 = arith.cmpi sgt, %mul3A_2, %sign3A : i32
    %sign3A_6 = arith.extui %sign3A_5 : i1 to i32
    %sign3A_7 = arith.constant 0 : i32
    %sign3A_8 = arith.cmpi slt, %mul3A_2, %sign3A_7 : i32
    %sign3A_9 = arith.extui %sign3A_8 : i1 to i32
    %sign3A_10 = arith.subi %sign3A_6, %sign3A_9 : i32
    %sign3A_11 = arith.constant 0 : i32
    %sign3A_12 = arith.cmpi sgt, %jit3A, %sign3A_11 : i32
    %sign3A_13 = arith.extui %sign3A_12 : i1 to i32
    %sign3A_14 = arith.constant 0 : i32
    %sign3A_15 = arith.cmpi slt, %jit3A, %sign3A_14 : i32
    %sign3A_16 = arith.extui %sign3A_15 : i1 to i32
    %sign3A_17 = arith.subi %sign3A_13, %sign3A_16 : i32
    %ne3A = arith.cmpi ne, %sign3A_10, %sign3A_17 : i32
    %rem3A = arith.remsi %mul3A_2, %jit3A : i32
    %ne3A_18 = arith.constant 0 : i32
    %ne3A_19 = arith.cmpi ne, %rem3A, %ne3A_18 : i32
    %and3A = arith.andi %ne3A, %ne3A_19 : i1
    %sub3A = arith.constant 1 : i32
    %sub3A_20 = arith.subi %div3A, %sub3A : i32
    %select_n3A = arith.select %and3A, %sub3A_20, %div3A : i32
    %mul3A_21 = arith.constant 128 : i32
    %mul3A_22 = arith.muli %select_n3A, %mul3A_21 : i32
    %multiple_of3A = tpu.assume_multiple %mul3A_22, 128 : i32
    %sub3A_23 = arith.subi %mul3A_2, %multiple_of3A : i32
    %jit3A_24 = arith.constant 128 : i32
    %div3A_25 = arith.divsi %add3A_4, %jit3A_24 : i32
    %sign3A_26 = arith.constant 0 : i32
    %sign3A_27 = arith.cmpi sgt, %add3A_4, %sign3A_26 : i32
    %sign3A_28 = arith.extui %sign3A_27 : i1 to i32
    %sign3A_29 = arith.constant 0 : i32
    %sign3A_30 = arith.cmpi slt, %add3A_4, %sign3A_29 : i32
    %sign3A_31 = arith.extui %sign3A_30 : i1 to i32
    %sign3A_32 = arith.subi %sign3A_28, %sign3A_31 : i32
    %sign3A_33 = arith.constant 0 : i32
    %sign3A_34 = arith.cmpi sgt, %jit3A_24, %sign3A_33 : i32
    %sign3A_35 = arith.extui %sign3A_34 : i1 to i32
    %sign3A_36 = arith.constant 0 : i32
    %sign3A_37 = arith.cmpi slt, %jit3A_24, %sign3A_36 : i32
    %sign3A_38 = arith.extui %sign3A_37 : i1 to i32
    %sign3A_39 = arith.subi %sign3A_35, %sign3A_38 : i32
    %ne3A_40 = arith.cmpi ne, %sign3A_32, %sign3A_39 : i32
    %rem3A_41 = arith.remsi %add3A_4, %jit3A_24 : i32
    %ne3A_42 = arith.constant 0 : i32
    %ne3A_43 = arith.cmpi ne, %rem3A_41, %ne3A_42 : i32
    %and3A_44 = arith.andi %ne3A_40, %ne3A_43 : i1
    %sub3A_45 = arith.constant 1 : i32
    %sub3A_46 = arith.subi %div3A_25, %sub3A_45 : i32
    %select_n3A_47 = arith.select %and3A_44, %sub3A_46, %div3A_25 : i32
    %mul3A_48 = arith.constant 128 : i32
    %mul3A_49 = arith.muli %select_n3A_47, %mul3A_48 : i32
    %multiple_of3A_50 = tpu.assume_multiple %mul3A_49, 128 : i32
    %sub3A_51 = arith.subi %add3A_4, %multiple_of3A_50 : i32
    %dma_start3A = arith.constant 0 : i32
    %dma_start3A_52 = arith.constant 0 : i32
    %dma_start3A_53 = tpu.memref_slice %arg11[%dma_start3A_52] : memref<10240xi32, #tpu.memory_space<vmem>> -> memref<5120xi32, #tpu.memory_space<vmem>>
    %dma_start3A_54 = tpu.memref_slice %arg2[%dma_start3A, %multiple_of3A] : memref<1x320000xi32, #tpu.memory_space<hbm>> -> memref<1x5120xi32, #tpu.memory_space<hbm>>
    %dma_start3A_55 = tpu.memref_squeeze %dma_start3A_54 : memref<1x5120xi32, #tpu.memory_space<hbm>> -> memref<5120xi32, #tpu.memory_space<hbm>>
    %dma_start3A_56 = arith.constant 0 : i32
    %dma_start3A_57 = tpu.memref_slice %arg11[%dma_start3A_56] : memref<10240xi32, #tpu.memory_space<vmem>> -> memref<5120xi32, #tpu.memory_space<vmem>>
    %dma_start3A_58 = tpu.memref_slice %arg2[%dma_start3A, %multiple_of3A] : memref<1x320000xi32, #tpu.memory_space<hbm>> -> memref<1x5120xi32, #tpu.memory_space<hbm>>
    %dma_start3A_59 = tpu.memref_squeeze %dma_start3A_58 : memref<1x5120xi32, #tpu.memory_space<hbm>> -> memref<5120xi32, #tpu.memory_space<hbm>>
    tpu.enqueue_dma source(%dma_start3A_59 : memref<5120xi32, #tpu.memory_space<hbm>>) target(%dma_start3A_57 : memref<5120xi32, #tpu.memory_space<vmem>>) target_semaphore(%arg19 : memref<!tpu.dma_semaphore, #tpu.memory_space<semaphore_mem>>)
    %dma_start3A_60 = arith.constant 0 : i32
    %dma_start3A_61 = arith.constant 0 : i32
    %dma_start3A_62 = tpu.memref_slice %arg12[%dma_start3A_61] : memref<10240xi32, #tpu.memory_space<vmem>> -> memref<5120xi32, #tpu.memory_space<vmem>>
    %dma_start3A_63 = tpu.memref_slice %arg3[%dma_start3A_60, %multiple_of3A] : memref<1x320000xi32, #tpu.memory_space<hbm>> -> memref<1x5120xi32, #tpu.memory_space<hbm>>
    %dma_start3A_64 = tpu.memref_squeeze %dma_start3A_63 : memref<1x5120xi32, #tpu.memory_space<hbm>> -> memref<5120xi32, #tpu.memory_space<hbm>>
    %dma_start3A_65 = arith.constant 0 : i32
    %dma_start3A_66 = tpu.memref_slice %arg12[%dma_start3A_65] : memref<10240xi32, #tpu.memory_space<vmem>> -> memref<5120xi32, #tpu.memory_space<vmem>>
    %dma_start3A_67 = tpu.memref_slice %arg3[%dma_start3A_60, %multiple_of3A] : memref<1x320000xi32, #tpu.memory_space<hbm>> -> memref<1x5120xi32, #tpu.memory_space<hbm>>
    %dma_start3A_68 = tpu.memref_squeeze %dma_start3A_67 : memref<1x5120xi32, #tpu.memory_space<hbm>> -> memref<5120xi32, #tpu.memory_space<hbm>>
    tpu.enqueue_dma source(%dma_start3A_68 : memref<5120xi32, #tpu.memory_space<hbm>>) target(%dma_start3A_66 : memref<5120xi32, #tpu.memory_space<vmem>>) target_semaphore(%arg19 : memref<!tpu.dma_semaphore, #tpu.memory_space<semaphore_mem>>)
    %dma_start3A_69 = arith.constant 0 : i32
    %dma_start3A_70 = tpu.memref_slice %arg13[%dma_start3A_69] : memref<10000xi32, #tpu.memory_space<vmem>> -> memref<4992xi32, #tpu.memory_space<vmem>>
    %dma_start3A_71 = tpu.memref_slice %arg4[%mul3A_2] : memref<320000xi32, #tpu.memory_space<hbm>> -> memref<4992xi32, #tpu.memory_space<hbm>>
    %dma_start3A_72 = arith.constant 0 : i32
    %dma_start3A_73 = tpu.memref_slice %arg13[%dma_start3A_72] : memref<10000xi32, #tpu.memory_space<vmem>> -> memref<4992xi32, #tpu.memory_space<vmem>>
    %dma_start3A_74 = tpu.memref_slice %arg4[%mul3A_2] : memref<320000xi32, #tpu.memory_space<hbm>> -> memref<4992xi32, #tpu.memory_space<hbm>>
    tpu.enqueue_dma source(%dma_start3A_74 : memref<4992xi32, #tpu.memory_space<hbm>>) target(%dma_start3A_73 : memref<4992xi32, #tpu.memory_space<vmem>>) target_semaphore(%arg19 : memref<!tpu.dma_semaphore, #tpu.memory_space<semaphore_mem>>)
    %dma_start3A_75 = arith.constant 0 : i32
    %dma_start3A_76 = arith.constant 0 : i32
    %dma_start3A_77 = tpu.memref_slice %arg14[%dma_start3A_76] : memref<10240xf32, #tpu.memory_space<vmem>> -> memref<5120xf32, #tpu.memory_space<vmem>>
    %dma_start3A_78 = tpu.memref_slice %arg5[%dma_start3A_75, %multiple_of3A] : memref<1x320000xf32, #tpu.memory_space<hbm>> -> memref<1x5120xf32, #tpu.memory_space<hbm>>
    %dma_start3A_79 = tpu.memref_squeeze %dma_start3A_78 : memref<1x5120xf32, #tpu.memory_space<hbm>> -> memref<5120xf32, #tpu.memory_space<hbm>>
    %dma_start3A_80 = arith.constant 0 : i32
    %dma_start3A_81 = tpu.memref_slice %arg14[%dma_start3A_80] : memref<10240xf32, #tpu.memory_space<vmem>> -> memref<5120xf32, #tpu.memory_space<vmem>>
    %dma_start3A_82 = tpu.memref_slice %arg5[%dma_start3A_75, %multiple_of3A] : memref<1x320000xf32, #tpu.memory_space<hbm>> -> memref<1x5120xf32, #tpu.memory_space<hbm>>
    %dma_start3A_83 = tpu.memref_squeeze %dma_start3A_82 : memref<1x5120xf32, #tpu.memory_space<hbm>> -> memref<5120xf32, #tpu.memory_space<hbm>>
    tpu.enqueue_dma source(%dma_start3A_83 : memref<5120xf32, #tpu.memory_space<hbm>>) target(%dma_start3A_81 : memref<5120xf32, #tpu.memory_space<vmem>>) target_semaphore(%arg19 : memref<!tpu.dma_semaphore, #tpu.memory_space<semaphore_mem>>)
    %dma_start3A_84 = arith.constant 0 : i32
    %dma_start3A_85 = arith.constant 0 : i32
    %dma_start3A_86 = tpu.memref_slice %arg6[%dma_start3A_84, %dma_start3A_85] : memref<1x10112xf32, #tpu.memory_space<hbm>> -> memref<1x10112xf32, #tpu.memory_space<hbm>>
    %dma_start3A_87 = tpu.memref_squeeze %dma_start3A_86 : memref<1x10112xf32, #tpu.memory_space<hbm>> -> memref<10112xf32, #tpu.memory_space<hbm>>
    %dma_start3A_88 = arith.constant 0 : i32
    %dma_start3A_89 = tpu.memref_slice %arg6[%dma_start3A_84, %dma_start3A_88] : memref<1x10112xf32, #tpu.memory_space<hbm>> -> memref<1x10112xf32, #tpu.memory_space<hbm>>
    %dma_start3A_90 = tpu.memref_squeeze %dma_start3A_89 : memref<1x10112xf32, #tpu.memory_space<hbm>> -> memref<10112xf32, #tpu.memory_space<hbm>>
    tpu.enqueue_dma source(%dma_start3A_90 : memref<10112xf32, #tpu.memory_space<hbm>>) target(%arg15 : memref<10112xf32, #tpu.memory_space<vmem>>) target_semaphore(%arg19 : memref<!tpu.dma_semaphore, #tpu.memory_space<semaphore_mem>>)
    %dma_start3A_91 = arith.constant 0 : i32
    %dma_start3A_92 = arith.constant 0 : i32
    %dma_start3A_93 = tpu.memref_slice %arg7[%dma_start3A_91, %dma_start3A_92] : memref<1x10112xf32, #tpu.memory_space<hbm>> -> memref<1x10112xf32, #tpu.memory_space<hbm>>
    %dma_start3A_94 = tpu.memref_squeeze %dma_start3A_93 : memref<1x10112xf32, #tpu.memory_space<hbm>> -> memref<10112xf32, #tpu.memory_space<hbm>>
    %dma_start3A_95 = arith.constant 0 : i32
    %dma_start3A_96 = tpu.memref_slice %arg7[%dma_start3A_91, %dma_start3A_95] : memref<1x10112xf32, #tpu.memory_space<hbm>> -> memref<1x10112xf32, #tpu.memory_space<hbm>>
    %dma_start3A_97 = tpu.memref_squeeze %dma_start3A_96 : memref<1x10112xf32, #tpu.memory_space<hbm>> -> memref<10112xf32, #tpu.memory_space<hbm>>
    tpu.enqueue_dma source(%dma_start3A_97 : memref<10112xf32, #tpu.memory_space<hbm>>) target(%arg16 : memref<10112xf32, #tpu.memory_space<vmem>>) target_semaphore(%arg19 : memref<!tpu.dma_semaphore, #tpu.memory_space<semaphore_mem>>)
    %dma_start3A_98 = arith.constant 0 : i32
    %dma_start3A_99 = arith.constant 0 : i32
    %dma_start3A_100 = tpu.memref_slice %arg8[%dma_start3A_98, %dma_start3A_99] : memref<1x16xf32, #tpu.memory_space<hbm>> -> memref<1x16xf32, #tpu.memory_space<hbm>>
    %dma_start3A_101 = tpu.memref_squeeze %dma_start3A_100 : memref<1x16xf32, #tpu.memory_space<hbm>> -> memref<16xf32, #tpu.memory_space<hbm>>
    %dma_start3A_102 = arith.constant 0 : i32
    %dma_start3A_103 = tpu.memref_slice %arg8[%dma_start3A_98, %dma_start3A_102] : memref<1x16xf32, #tpu.memory_space<hbm>> -> memref<1x16xf32, #tpu.memory_space<hbm>>
    %dma_start3A_104 = tpu.memref_squeeze %dma_start3A_103 : memref<1x16xf32, #tpu.memory_space<hbm>> -> memref<16xf32, #tpu.memory_space<hbm>>
    tpu.enqueue_dma source(%dma_start3A_104 : memref<16xf32, #tpu.memory_space<hbm>>) target(%arg17 : memref<16xf32, #tpu.memory_space<vmem>>) target_semaphore(%arg19 : memref<!tpu.dma_semaphore, #tpu.memory_space<semaphore_mem>>)
    %dma_start3A_105 = arith.constant 0 : i32
    %dma_start3A_106 = arith.constant 5120 : i32
    %dma_start3A_107 = tpu.memref_slice %arg11[%dma_start3A_106] : memref<10240xi32, #tpu.memory_space<vmem>> -> memref<5120xi32, #tpu.memory_space<vmem>>
    %dma_start3A_108 = tpu.memref_slice %arg2[%dma_start3A_105, %multiple_of3A_50] : memref<1x320000xi32, #tpu.memory_space<hbm>> -> memref<1x5120xi32, #tpu.memory_space<hbm>>
    %dma_start3A_109 = tpu.memref_squeeze %dma_start3A_108 : memref<1x5120xi32, #tpu.memory_space<hbm>> -> memref<5120xi32, #tpu.memory_space<hbm>>
    %dma_start3A_110 = arith.constant 5120 : i32
    %dma_start3A_111 = tpu.memref_slice %arg11[%dma_start3A_110] : memref<10240xi32, #tpu.memory_space<vmem>> -> memref<5120xi32, #tpu.memory_space<vmem>>
    %dma_start3A_112 = tpu.memref_slice %arg2[%dma_start3A_105, %multiple_of3A_50] : memref<1x320000xi32, #tpu.memory_space<hbm>> -> memref<1x5120xi32, #tpu.memory_space<hbm>>
    %dma_start3A_113 = tpu.memref_squeeze %dma_start3A_112 : memref<1x5120xi32, #tpu.memory_space<hbm>> -> memref<5120xi32, #tpu.memory_space<hbm>>
    tpu.enqueue_dma source(%dma_start3A_113 : memref<5120xi32, #tpu.memory_space<hbm>>) target(%dma_start3A_111 : memref<5120xi32, #tpu.memory_space<vmem>>) target_semaphore(%arg20 : memref<!tpu.dma_semaphore, #tpu.memory_space<semaphore_mem>>)
    %dma_start3A_114 = arith.constant 0 : i32
    %dma_start3A_115 = arith.constant 5120 : i32
    %dma_start3A_116 = tpu.memref_slice %arg12[%dma_start3A_115] : memref<10240xi32, #tpu.memory_space<vmem>> -> memref<5120xi32, #tpu.memory_space<vmem>>
    %dma_start3A_117 = tpu.memref_slice %arg3[%dma_start3A_114, %multiple_of3A_50] : memref<1x320000xi32, #tpu.memory_space<hbm>> -> memref<1x5120xi32, #tpu.memory_space<hbm>>
    %dma_start3A_118 = tpu.memref_squeeze %dma_start3A_117 : memref<1x5120xi32, #tpu.memory_space<hbm>> -> memref<5120xi32, #tpu.memory_space<hbm>>
    %dma_start3A_119 = arith.constant 5120 : i32
    %dma_start3A_120 = tpu.memref_slice %arg12[%dma_start3A_119] : memref<10240xi32, #tpu.memory_space<vmem>> -> memref<5120xi32, #tpu.memory_space<vmem>>
    %dma_start3A_121 = tpu.memref_slice %arg3[%dma_start3A_114, %multiple_of3A_50] : memref<1x320000xi32, #tpu.memory_space<hbm>> -> memref<1x5120xi32, #tpu.memory_space<hbm>>
    %dma_start3A_122 = tpu.memref_squeeze %dma_start3A_121 : memref<1x5120xi32, #tpu.memory_space<hbm>> -> memref<5120xi32, #tpu.memory_space<hbm>>
    tpu.enqueue_dma source(%dma_start3A_122 : memref<5120xi32, #tpu.memory_space<hbm>>) target(%dma_start3A_120 : memref<5120xi32, #tpu.memory_space<vmem>>) target_semaphore(%arg20 : memref<!tpu.dma_semaphore, #tpu.memory_space<semaphore_mem>>)
    %dma_start3A_123 = arith.constant 4992 : i32
    %dma_start3A_124 = tpu.memref_slice %arg13[%dma_start3A_123] : memref<10000xi32, #tpu.memory_space<vmem>> -> memref<5008xi32, #tpu.memory_space<vmem>>
    %dma_start3A_125 = tpu.memref_slice %arg4[%add3A_4] : memref<320000xi32, #tpu.memory_space<hbm>> -> memref<5008xi32, #tpu.memory_space<hbm>>
    %dma_start3A_126 = arith.constant 4992 : i32
    %dma_start3A_127 = tpu.memref_slice %arg13[%dma_start3A_126] : memref<10000xi32, #tpu.memory_space<vmem>> -> memref<5008xi32, #tpu.memory_space<vmem>>
    %dma_start3A_128 = tpu.memref_slice %arg4[%add3A_4] : memref<320000xi32, #tpu.memory_space<hbm>> -> memref<5008xi32, #tpu.memory_space<hbm>>
    tpu.enqueue_dma source(%dma_start3A_128 : memref<5008xi32, #tpu.memory_space<hbm>>) target(%dma_start3A_127 : memref<5008xi32, #tpu.memory_space<vmem>>) target_semaphore(%arg20 : memref<!tpu.dma_semaphore, #tpu.memory_space<semaphore_mem>>)
    %dma_start3A_129 = arith.constant 0 : i32
    %dma_start3A_130 = arith.constant 5120 : i32
    %dma_start3A_131 = tpu.memref_slice %arg14[%dma_start3A_130] : memref<10240xf32, #tpu.memory_space<vmem>> -> memref<5120xf32, #tpu.memory_space<vmem>>
    %dma_start3A_132 = tpu.memref_slice %arg5[%dma_start3A_129, %multiple_of3A_50] : memref<1x320000xf32, #tpu.memory_space<hbm>> -> memref<1x5120xf32, #tpu.memory_space<hbm>>
    %dma_start3A_133 = tpu.memref_squeeze %dma_start3A_132 : memref<1x5120xf32, #tpu.memory_space<hbm>> -> memref<5120xf32, #tpu.memory_space<hbm>>
    %dma_start3A_134 = arith.constant 5120 : i32
    %dma_start3A_135 = tpu.memref_slice %arg14[%dma_start3A_134] : memref<10240xf32, #tpu.memory_space<vmem>> -> memref<5120xf32, #tpu.memory_space<vmem>>
    %dma_start3A_136 = tpu.memref_slice %arg5[%dma_start3A_129, %multiple_of3A_50] : memref<1x320000xf32, #tpu.memory_space<hbm>> -> memref<1x5120xf32, #tpu.memory_space<hbm>>
    %dma_start3A_137 = tpu.memref_squeeze %dma_start3A_136 : memref<1x5120xf32, #tpu.memory_space<hbm>> -> memref<5120xf32, #tpu.memory_space<hbm>>
    tpu.enqueue_dma source(%dma_start3A_137 : memref<5120xf32, #tpu.memory_space<hbm>>) target(%dma_start3A_135 : memref<5120xf32, #tpu.memory_space<vmem>>) target_semaphore(%arg20 : memref<!tpu.dma_semaphore, #tpu.memory_space<semaphore_mem>>)
    %eq3A = arith.constant 0 : i32
    %eq3A_138 = arith.cmpi eq, %add3A, %eq3A : i32
    %convert_element_type3A = arith.extui %eq3A_138 : i1 to i32
    %cond3A = arith.constant 0 : i32
    %cond3A_139 = arith.cmpi ne, %convert_element_type3A, %cond3A : i32
    scf.if %cond3A_139 {
      %run_scoped3A = arith.constant 0 : i32
      "tpu.region"() ({
        %run_scoped3A_236 = tpu.sem_alloc : memref<!tpu.dma_semaphore, #tpu.memory_space<semaphore_mem>>
        %dma_start3A_237 = arith.constant 0 : i32
        %dma_start3A_238 = tpu.memref_slice %arg9[%run_scoped3A, %dma_start3A_237] : memref<1x10112xf32, #tpu.memory_space<hbm>> -> memref<1x10112xf32, #tpu.memory_space<hbm>>
        %dma_start3A_239 = tpu.memref_squeeze %dma_start3A_238 : memref<1x10112xf32, #tpu.memory_space<hbm>> -> memref<10112xf32, #tpu.memory_space<hbm>>
        %dma_start3A_240 = arith.constant 0 : i32
        %dma_start3A_241 = tpu.memref_slice %arg9[%run_scoped3A, %dma_start3A_240] : memref<1x10112xf32, #tpu.memory_space<hbm>> -> memref<1x10112xf32, #tpu.memory_space<hbm>>
        %dma_start3A_242 = tpu.memref_squeeze %dma_start3A_241 : memref<1x10112xf32, #tpu.memory_space<hbm>> -> memref<10112xf32, #tpu.memory_space<hbm>>
        tpu.enqueue_dma source(%dma_start3A_242 : memref<10112xf32, #tpu.memory_space<hbm>>) target(%arg18 : memref<10112xf32, #tpu.memory_space<vmem>>) target_semaphore(%run_scoped3A_236 : memref<!tpu.dma_semaphore, #tpu.memory_space<semaphore_mem>>)
        %dma_wait3A_243 = arith.constant 0 : i32
        %dma_wait3A_244 = tpu.memref_slice %arg9[%run_scoped3A, %dma_wait3A_243] : memref<1x10112xf32, #tpu.memory_space<hbm>> -> memref<1x10112xf32, #tpu.memory_space<hbm>>
        %dma_wait3A_245 = tpu.memref_squeeze %dma_wait3A_244 : memref<1x10112xf32, #tpu.memory_space<hbm>> -> memref<10112xf32, #tpu.memory_space<hbm>>
        %dma_wait3A_246 = arith.constant 0 : i32
        %dma_wait3A_247 = tpu.memref_slice %arg9[%run_scoped3A, %dma_wait3A_246] : memref<1x10112xf32, #tpu.memory_space<hbm>> -> memref<1x10112xf32, #tpu.memory_space<hbm>>
        %dma_wait3A_248 = tpu.memref_squeeze %dma_wait3A_247 : memref<1x10112xf32, #tpu.memory_space<hbm>> -> memref<10112xf32, #tpu.memory_space<hbm>>
        tpu.wait_dma2 semaphore(%run_scoped3A_236 : memref<!tpu.dma_semaphore, #tpu.memory_space<semaphore_mem>>) src(%dma_wait3A_248 : memref<10112xf32, #tpu.memory_space<hbm>>) dst(%arg18 : memref<10112xf32, #tpu.memory_space<vmem>>)
        tpu.yield
      }) : () -> ()
    } else {
    }
    %ne3A_140 = arith.constant 0 : i32
    %ne3A_141 = arith.cmpi ne, %add3A, %ne3A_140 : i32
    %convert_element_type3A_142 = arith.extui %ne3A_141 : i1 to i32
    %cond3A_143 = arith.constant 0 : i32
    %cond3A_144 = arith.cmpi ne, %convert_element_type3A_142, %cond3A_143 : i32
    scf.if %cond3A_144 {
      %broadcast_in_dim3A = arith.constant 0.000000e+00 : f32
      %broadcast_in_dim3A_236 = vector.broadcast %broadcast_in_dim3A : f32 to vector<16xf32>
      %parallel_loop3A_237 = arith.constant 0 : i32
      %parallel_loop3A_238 = arith.constant 632 : i32
      %parallel_loop3A_239 = arith.constant 1 : i32
      scf.for %parallel_loop3A_240 = %parallel_loop3A_237 to %parallel_loop3A_238 step %parallel_loop3A_239  : i32 {
        %parallel_loop3A_241 = arith.constant 16 : i32
        %parallel_loop3A_242 = arith.muli %parallel_loop3A_240, %parallel_loop3A_241 : i32
        %parallel_loop3A_243 = arith.index_cast %parallel_loop3A_242 : i32 to index
        %parallel_loop3A_244 = tpu.vector_load %arg18[%parallel_loop3A_243] {strides = array<i32>} : memref<10112xf32, #tpu.memory_space<vmem>>, vector<16xf32>,
        tpu.vector_store %arg18[%parallel_loop3A_243], %broadcast_in_dim3A_236 {strides = array<i32>} : memref<10112xf32, #tpu.memory_space<vmem>>, vector<16xf32>,
      } {sc.loop_unroll_factor = 8 : i64, sc.parallel_access}
    } else {
    }
    %dma_wait3A = arith.constant 0 : i32
    %dma_wait3A_145 = arith.constant 0 : i32
    %dma_wait3A_146 = tpu.memref_slice %arg11[%dma_wait3A_145] : memref<10240xi32, #tpu.memory_space<vmem>> -> memref<5120xi32, #tpu.memory_space<vmem>>
    %dma_wait3A_147 = tpu.memref_slice %arg2[%dma_wait3A, %multiple_of3A] : memref<1x320000xi32, #tpu.memory_space<hbm>> -> memref<1x5120xi32, #tpu.memory_space<hbm>>
    %dma_wait3A_148 = tpu.memref_squeeze %dma_wait3A_147 : memref<1x5120xi32, #tpu.memory_space<hbm>> -> memref<5120xi32, #tpu.memory_space<hbm>>
    %dma_wait3A_149 = arith.constant 0 : i32
    %dma_wait3A_150 = tpu.memref_slice %arg11[%dma_wait3A_149] : memref<10240xi32, #tpu.memory_space<vmem>> -> memref<5120xi32, #tpu.memory_space<vmem>>
    %dma_wait3A_151 = tpu.memref_slice %arg2[%dma_wait3A, %multiple_of3A] : memref<1x320000xi32, #tpu.memory_space<hbm>> -> memref<1x5120xi32, #tpu.memory_space<hbm>>
    %dma_wait3A_152 = tpu.memref_squeeze %dma_wait3A_151 : memref<1x5120xi32, #tpu.memory_space<hbm>> -> memref<5120xi32, #tpu.memory_space<hbm>>
    tpu.wait_dma2 semaphore(%arg19 : memref<!tpu.dma_semaphore, #tpu.memory_space<semaphore_mem>>) src(%dma_wait3A_152 : memref<5120xi32, #tpu.memory_space<hbm>>) dst(%dma_wait3A_150 : memref<5120xi32, #tpu.memory_space<vmem>>)
    %dma_wait3A_153 = arith.constant 0 : i32
    %dma_wait3A_154 = arith.constant 0 : i32
    %dma_wait3A_155 = tpu.memref_slice %arg12[%dma_wait3A_154] : memref<10240xi32, #tpu.memory_space<vmem>> -> memref<5120xi32, #tpu.memory_space<vmem>>
    %dma_wait3A_156 = tpu.memref_slice %arg3[%dma_wait3A_153, %multiple_of3A] : memref<1x320000xi32, #tpu.memory_space<hbm>> -> memref<1x5120xi32, #tpu.memory_space<hbm>>
    %dma_wait3A_157 = tpu.memref_squeeze %dma_wait3A_156 : memref<1x5120xi32, #tpu.memory_space<hbm>> -> memref<5120xi32, #tpu.memory_space<hbm>>
    %dma_wait3A_158 = arith.constant 0 : i32
    %dma_wait3A_159 = tpu.memref_slice %arg12[%dma_wait3A_158] : memref<10240xi32, #tpu.memory_space<vmem>> -> memref<5120xi32, #tpu.memory_space<vmem>>
    %dma_wait3A_160 = tpu.memref_slice %arg3[%dma_wait3A_153, %multiple_of3A] : memref<1x320000xi32, #tpu.memory_space<hbm>> -> memref<1x5120xi32, #tpu.memory_space<hbm>>
    %dma_wait3A_161 = tpu.memref_squeeze %dma_wait3A_160 : memref<1x5120xi32, #tpu.memory_space<hbm>> -> memref<5120xi32, #tpu.memory_space<hbm>>
    tpu.wait_dma2 semaphore(%arg19 : memref<!tpu.dma_semaphore, #tpu.memory_space<semaphore_mem>>) src(%dma_wait3A_161 : memref<5120xi32, #tpu.memory_space<hbm>>) dst(%dma_wait3A_159 : memref<5120xi32, #tpu.memory_space<vmem>>)
    %dma_wait3A_162 = arith.constant 0 : i32
    %dma_wait3A_163 = tpu.memref_slice %arg13[%dma_wait3A_162] : memref<10000xi32, #tpu.memory_space<vmem>> -> memref<4992xi32, #tpu.memory_space<vmem>>
    %dma_wait3A_164 = tpu.memref_slice %arg4[%mul3A_2] : memref<320000xi32, #tpu.memory_space<hbm>> -> memref<4992xi32, #tpu.memory_space<hbm>>
    %dma_wait3A_165 = arith.constant 0 : i32
    %dma_wait3A_166 = tpu.memref_slice %arg13[%dma_wait3A_165] : memref<10000xi32, #tpu.memory_space<vmem>> -> memref<4992xi32, #tpu.memory_space<vmem>>
    %dma_wait3A_167 = tpu.memref_slice %arg4[%mul3A_2] : memref<320000xi32, #tpu.memory_space<hbm>> -> memref<4992xi32, #tpu.memory_space<hbm>>
    tpu.wait_dma2 semaphore(%arg19 : memref<!tpu.dma_semaphore, #tpu.memory_space<semaphore_mem>>) src(%dma_wait3A_167 : memref<4992xi32, #tpu.memory_space<hbm>>) dst(%dma_wait3A_166 : memref<4992xi32, #tpu.memory_space<vmem>>)
    %dma_wait3A_168 = arith.constant 0 : i32
    %dma_wait3A_169 = arith.constant 0 : i32
    %dma_wait3A_170 = tpu.memref_slice %arg14[%dma_wait3A_169] : memref<10240xf32, #tpu.memory_space<vmem>> -> memref<5120xf32, #tpu.memory_space<vmem>>
    %dma_wait3A_171 = tpu.memref_slice %arg5[%dma_wait3A_168, %multiple_of3A] : memref<1x320000xf32, #tpu.memory_space<hbm>> -> memref<1x5120xf32, #tpu.memory_space<hbm>>
    %dma_wait3A_172 = tpu.memref_squeeze %dma_wait3A_171 : memref<1x5120xf32, #tpu.memory_space<hbm>> -> memref<5120xf32, #tpu.memory_space<hbm>>
    %dma_wait3A_173 = arith.constant 0 : i32
    %dma_wait3A_174 = tpu.memref_slice %arg14[%dma_wait3A_173] : memref<10240xf32, #tpu.memory_space<vmem>> -> memref<5120xf32, #tpu.memory_space<vmem>>
    %dma_wait3A_175 = tpu.memref_slice %arg5[%dma_wait3A_168, %multiple_of3A] : memref<1x320000xf32, #tpu.memory_space<hbm>> -> memref<1x5120xf32, #tpu.memory_space<hbm>>
    %dma_wait3A_176 = tpu.memref_squeeze %dma_wait3A_175 : memref<1x5120xf32, #tpu.memory_space<hbm>> -> memref<5120xf32, #tpu.memory_space<hbm>>
    tpu.wait_dma2 semaphore(%arg19 : memref<!tpu.dma_semaphore, #tpu.memory_space<semaphore_mem>>) src(%dma_wait3A_176 : memref<5120xf32, #tpu.memory_space<hbm>>) dst(%dma_wait3A_174 : memref<5120xf32, #tpu.memory_space<vmem>>)
    %dma_wait3A_177 = arith.constant 0 : i32
    %dma_wait3A_178 = arith.constant 0 : i32
    %dma_wait3A_179 = tpu.memref_slice %arg6[%dma_wait3A_177, %dma_wait3A_178] : memref<1x10112xf32, #tpu.memory_space<hbm>> -> memref<1x10112xf32, #tpu.memory_space<hbm>>
    %dma_wait3A_180 = tpu.memref_squeeze %dma_wait3A_179 : memref<1x10112xf32, #tpu.memory_space<hbm>> -> memref<10112xf32, #tpu.memory_space<hbm>>
    %dma_wait3A_181 = arith.constant 0 : i32
    %dma_wait3A_182 = tpu.memref_slice %arg6[%dma_wait3A_177, %dma_wait3A_181] : memref<1x10112xf32, #tpu.memory_space<hbm>> -> memref<1x10112xf32, #tpu.memory_space<hbm>>
    %dma_wait3A_183 = tpu.memref_squeeze %dma_wait3A_182 : memref<1x10112xf32, #tpu.memory_space<hbm>> -> memref<10112xf32, #tpu.memory_space<hbm>>
    tpu.wait_dma2 semaphore(%arg19 : memref<!tpu.dma_semaphore, #tpu.memory_space<semaphore_mem>>) src(%dma_wait3A_183 : memref<10112xf32, #tpu.memory_space<hbm>>) dst(%arg15 : memref<10112xf32, #tpu.memory_space<vmem>>)
    %dma_wait3A_184 = arith.constant 0 : i32
    %dma_wait3A_185 = arith.constant 0 : i32
    %dma_wait3A_186 = tpu.memref_slice %arg7[%dma_wait3A_184, %dma_wait3A_185] : memref<1x10112xf32, #tpu.memory_space<hbm>> -> memref<1x10112xf32, #tpu.memory_space<hbm>>
    %dma_wait3A_187 = tpu.memref_squeeze %dma_wait3A_186 : memref<1x10112xf32, #tpu.memory_space<hbm>> -> memref<10112xf32, #tpu.memory_space<hbm>>
    %dma_wait3A_188 = arith.constant 0 : i32
    %dma_wait3A_189 = tpu.memref_slice %arg7[%dma_wait3A_184, %dma_wait3A_188] : memref<1x10112xf32, #tpu.memory_space<hbm>> -> memref<1x10112xf32, #tpu.memory_space<hbm>>
    %dma_wait3A_190 = tpu.memref_squeeze %dma_wait3A_189 : memref<1x10112xf32, #tpu.memory_space<hbm>> -> memref<10112xf32, #tpu.memory_space<hbm>>
    tpu.wait_dma2 semaphore(%arg19 : memref<!tpu.dma_semaphore, #tpu.memory_space<semaphore_mem>>) src(%dma_wait3A_190 : memref<10112xf32, #tpu.memory_space<hbm>>) dst(%arg16 : memref<10112xf32, #tpu.memory_space<vmem>>)
    %dma_wait3A_191 = arith.constant 0 : i32
    %dma_wait3A_192 = arith.constant 0 : i32
    %dma_wait3A_193 = tpu.memref_slice %arg8[%dma_wait3A_191, %dma_wait3A_192] : memref<1x16xf32, #tpu.memory_space<hbm>> -> memref<1x16xf32, #tpu.memory_space<hbm>>
    %dma_wait3A_194 = tpu.memref_squeeze %dma_wait3A_193 : memref<1x16xf32, #tpu.memory_space<hbm>> -> memref<16xf32, #tpu.memory_space<hbm>>
    %dma_wait3A_195 = arith.constant 0 : i32
    %dma_wait3A_196 = tpu.memref_slice %arg8[%dma_wait3A_191, %dma_wait3A_195] : memref<1x16xf32, #tpu.memory_space<hbm>> -> memref<1x16xf32, #tpu.memory_space<hbm>>
    %dma_wait3A_197 = tpu.memref_squeeze %dma_wait3A_196 : memref<1x16xf32, #tpu.memory_space<hbm>> -> memref<16xf32, #tpu.memory_space<hbm>>
    tpu.wait_dma2 semaphore(%arg19 : memref<!tpu.dma_semaphore, #tpu.memory_space<semaphore_mem>>) src(%dma_wait3A_197 : memref<16xf32, #tpu.memory_space<hbm>>) dst(%arg17 : memref<16xf32, #tpu.memory_space<vmem>>)
    %parallel_loop3A = arith.constant 0 : i32
    %parallel_loop3A_198 = arith.constant 312 : i32
    %parallel_loop3A_199 = arith.constant 1 : i32
    scf.for %parallel_loop3A_236 = %parallel_loop3A to %parallel_loop3A_198 step %parallel_loop3A_199  : i32 {
      %parallel_loop3A_237 = arith.constant 0 : i32
      %parallel_loop3A_238 = arith.addi %parallel_loop3A_237, %sub3A_23 : i32
      %parallel_loop3A_239 = arith.constant 16 : i32
      %parallel_loop3A_240 = arith.muli %parallel_loop3A_236, %parallel_loop3A_239 : i32
      %parallel_loop3A_241 = arith.addi %parallel_loop3A_238, %parallel_loop3A_240 : i32
      %parallel_loop3A_242 = arith.index_cast %parallel_loop3A_241 : i32 to index
      %parallel_loop3A_243 = tpu.vector_load %arg11[%parallel_loop3A_242] {strides = array<i32>} : memref<10240xi32, #tpu.memory_space<vmem>>, vector<16xi32>,
      %parallel_loop3A_244 = arith.index_cast %parallel_loop3A_241 : i32 to index
      %parallel_loop3A_245 = tpu.vector_load %arg12[%parallel_loop3A_244] {strides = array<i32>} : memref<10240xi32, #tpu.memory_space<vmem>>, vector<16xi32>,
      %parallel_loop3A_246 = arith.constant 16 : i32
      %parallel_loop3A_247 = arith.muli %parallel_loop3A_236, %parallel_loop3A_246 : i32
      %parallel_loop3A_248 = arith.constant 0 : i32
      %parallel_loop3A_249 = arith.addi %parallel_loop3A_248, %parallel_loop3A_247 : i32
      %parallel_loop3A_250 = arith.index_cast %parallel_loop3A_249 : i32 to index
      %parallel_loop3A_251 = tpu.vector_load %arg13[%parallel_loop3A_250] {strides = array<i32>} : memref<10000xi32, #tpu.memory_space<vmem>>, vector<16xi32>,
      %parallel_loop3A_252 = arith.index_cast %parallel_loop3A_241 : i32 to index
      %parallel_loop3A_253 = tpu.vector_load %arg14[%parallel_loop3A_252] {strides = array<i32>} : memref<10240xf32, #tpu.memory_space<vmem>>, vector<16xf32>,
      %parallel_loop3A_254 = tpu.vector_load_idx %arg15[%parallel_loop3A_243] : memref<10112xf32, #tpu.memory_space<vmem>>[vector<16xi32>], vector<16xf32>,
      %parallel_loop3A_255 = arith.addf %parallel_loop3A_253, %parallel_loop3A_254 : vector<16xf32>
      %parallel_loop3A_256 = tpu.vector_load_idx %arg16[%parallel_loop3A_245] : memref<10112xf32, #tpu.memory_space<vmem>>[vector<16xi32>], vector<16xf32>,
      %parallel_loop3A_257 = arith.addf %parallel_loop3A_255, %parallel_loop3A_256 : vector<16xf32>
      %parallel_loop3A_258 = tpu.vector_load_idx %arg17[%parallel_loop3A_251] : memref<16xf32, #tpu.memory_space<vmem>>[vector<16xi32>], vector<16xf32>,
      %parallel_loop3A_259 = arith.addf %parallel_loop3A_257, %parallel_loop3A_258 : vector<16xf32>
      tpu.vector_store_idx %arg18[%parallel_loop3A_245], %parallel_loop3A_259 {add = true} : memref<10112xf32, #tpu.memory_space<vmem>>[vector<16xi32>], vector<16xf32>,
    } {sc.loop_unroll_factor = 8 : i64, sc.parallel_access}
    %dma_wait3A_200 = arith.constant 0 : i32
    %dma_wait3A_201 = arith.constant 5120 : i32
    %dma_wait3A_202 = tpu.memref_slice %arg11[%dma_wait3A_201] : memref<10240xi32, #tpu.memory_space<vmem>> -> memref<5120xi32, #tpu.memory_space<vmem>>
    %dma_wait3A_203 = tpu.memref_slice %arg2[%dma_wait3A_200, %multiple_of3A_50] : memref<1x320000xi32, #tpu.memory_space<hbm>> -> memref<1x5120xi32, #tpu.memory_space<hbm>>
    %dma_wait3A_204 = tpu.memref_squeeze %dma_wait3A_203 : memref<1x5120xi32, #tpu.memory_space<hbm>> -> memref<5120xi32, #tpu.memory_space<hbm>>
    %dma_wait3A_205 = arith.constant 5120 : i32
    %dma_wait3A_206 = tpu.memref_slice %arg11[%dma_wait3A_205] : memref<10240xi32, #tpu.memory_space<vmem>> -> memref<5120xi32, #tpu.memory_space<vmem>>
    %dma_wait3A_207 = tpu.memref_slice %arg2[%dma_wait3A_200, %multiple_of3A_50] : memref<1x320000xi32, #tpu.memory_space<hbm>> -> memref<1x5120xi32, #tpu.memory_space<hbm>>
    %dma_wait3A_208 = tpu.memref_squeeze %dma_wait3A_207 : memref<1x5120xi32, #tpu.memory_space<hbm>> -> memref<5120xi32, #tpu.memory_space<hbm>>
    tpu.wait_dma2 semaphore(%arg20 : memref<!tpu.dma_semaphore, #tpu.memory_space<semaphore_mem>>) src(%dma_wait3A_208 : memref<5120xi32, #tpu.memory_space<hbm>>) dst(%dma_wait3A_206 : memref<5120xi32, #tpu.memory_space<vmem>>)
    %dma_wait3A_209 = arith.constant 0 : i32
    %dma_wait3A_210 = arith.constant 5120 : i32
    %dma_wait3A_211 = tpu.memref_slice %arg12[%dma_wait3A_210] : memref<10240xi32, #tpu.memory_space<vmem>> -> memref<5120xi32, #tpu.memory_space<vmem>>
    %dma_wait3A_212 = tpu.memref_slice %arg3[%dma_wait3A_209, %multiple_of3A_50] : memref<1x320000xi32, #tpu.memory_space<hbm>> -> memref<1x5120xi32, #tpu.memory_space<hbm>>
    %dma_wait3A_213 = tpu.memref_squeeze %dma_wait3A_212 : memref<1x5120xi32, #tpu.memory_space<hbm>> -> memref<5120xi32, #tpu.memory_space<hbm>>
    %dma_wait3A_214 = arith.constant 5120 : i32
    %dma_wait3A_215 = tpu.memref_slice %arg12[%dma_wait3A_214] : memref<10240xi32, #tpu.memory_space<vmem>> -> memref<5120xi32, #tpu.memory_space<vmem>>
    %dma_wait3A_216 = tpu.memref_slice %arg3[%dma_wait3A_209, %multiple_of3A_50] : memref<1x320000xi32, #tpu.memory_space<hbm>> -> memref<1x5120xi32, #tpu.memory_space<hbm>>
    %dma_wait3A_217 = tpu.memref_squeeze %dma_wait3A_216 : memref<1x5120xi32, #tpu.memory_space<hbm>> -> memref<5120xi32, #tpu.memory_space<hbm>>
    tpu.wait_dma2 semaphore(%arg20 : memref<!tpu.dma_semaphore, #tpu.memory_space<semaphore_mem>>) src(%dma_wait3A_217 : memref<5120xi32, #tpu.memory_space<hbm>>) dst(%dma_wait3A_215 : memref<5120xi32, #tpu.memory_space<vmem>>)
    %dma_wait3A_218 = arith.constant 4992 : i32
    %dma_wait3A_219 = tpu.memref_slice %arg13[%dma_wait3A_218] : memref<10000xi32, #tpu.memory_space<vmem>> -> memref<5008xi32, #tpu.memory_space<vmem>>
    %dma_wait3A_220 = tpu.memref_slice %arg4[%add3A_4] : memref<320000xi32, #tpu.memory_space<hbm>> -> memref<5008xi32, #tpu.memory_space<hbm>>
    %dma_wait3A_221 = arith.constant 4992 : i32
    %dma_wait3A_222 = tpu.memref_slice %arg13[%dma_wait3A_221] : memref<10000xi32, #tpu.memory_space<vmem>> -> memref<5008xi32, #tpu.memory_space<vmem>>
    %dma_wait3A_223 = tpu.memref_slice %arg4[%add3A_4] : memref<320000xi32, #tpu.memory_space<hbm>> -> memref<5008xi32, #tpu.memory_space<hbm>>
    tpu.wait_dma2 semaphore(%arg20 : memref<!tpu.dma_semaphore, #tpu.memory_space<semaphore_mem>>) src(%dma_wait3A_223 : memref<5008xi32, #tpu.memory_space<hbm>>) dst(%dma_wait3A_222 : memref<5008xi32, #tpu.memory_space<vmem>>)
    %dma_wait3A_224 = arith.constant 0 : i32
    %dma_wait3A_225 = arith.constant 5120 : i32
    %dma_wait3A_226 = tpu.memref_slice %arg14[%dma_wait3A_225] : memref<10240xf32, #tpu.memory_space<vmem>> -> memref<5120xf32, #tpu.memory_space<vmem>>
    %dma_wait3A_227 = tpu.memref_slice %arg5[%dma_wait3A_224, %multiple_of3A_50] : memref<1x320000xf32, #tpu.memory_space<hbm>> -> memref<1x5120xf32, #tpu.memory_space<hbm>>
    %dma_wait3A_228 = tpu.memref_squeeze %dma_wait3A_227 : memref<1x5120xf32, #tpu.memory_space<hbm>> -> memref<5120xf32, #tpu.memory_space<hbm>>
    %dma_wait3A_229 = arith.constant 5120 : i32
    %dma_wait3A_230 = tpu.memref_slice %arg14[%dma_wait3A_229] : memref<10240xf32, #tpu.memory_space<vmem>> -> memref<5120xf32, #tpu.memory_space<vmem>>
    %dma_wait3A_231 = tpu.memref_slice %arg5[%dma_wait3A_224, %multiple_of3A_50] : memref<1x320000xf32, #tpu.memory_space<hbm>> -> memref<1x5120xf32, #tpu.memory_space<hbm>>
    %dma_wait3A_232 = tpu.memref_squeeze %dma_wait3A_231 : memref<1x5120xf32, #tpu.memory_space<hbm>> -> memref<5120xf32, #tpu.memory_space<hbm>>
    tpu.wait_dma2 semaphore(%arg20 : memref<!tpu.dma_semaphore, #tpu.memory_space<semaphore_mem>>) src(%dma_wait3A_232 : memref<5120xf32, #tpu.memory_space<hbm>>) dst(%dma_wait3A_230 : memref<5120xf32, #tpu.memory_space<vmem>>)
    %parallel_loop3A_233 = arith.constant 0 : i32
    %parallel_loop3A_234 = arith.constant 313 : i32
    %parallel_loop3A_235 = arith.constant 1 : i32
    scf.for %parallel_loop3A_236 = %parallel_loop3A_233 to %parallel_loop3A_234 step %parallel_loop3A_235  : i32 {
      %parallel_loop3A_237 = arith.constant 5120 : i32
      %parallel_loop3A_238 = arith.addi %parallel_loop3A_237, %sub3A_51 : i32
      %parallel_loop3A_239 = arith.constant 16 : i32
      %parallel_loop3A_240 = arith.muli %parallel_loop3A_236, %parallel_loop3A_239 : i32
      %parallel_loop3A_241 = arith.addi %parallel_loop3A_238, %parallel_loop3A_240 : i32
      %parallel_loop3A_242 = arith.index_cast %parallel_loop3A_241 : i32 to index
      %parallel_loop3A_243 = tpu.vector_load %arg11[%parallel_loop3A_242] {strides = array<i32>} : memref<10240xi32, #tpu.memory_space<vmem>>, vector<16xi32>,
      %parallel_loop3A_244 = arith.index_cast %parallel_loop3A_241 : i32 to index
      %parallel_loop3A_245 = tpu.vector_load %arg12[%parallel_loop3A_244] {strides = array<i32>} : memref<10240xi32, #tpu.memory_space<vmem>>, vector<16xi32>,
      %parallel_loop3A_246 = arith.constant 16 : i32
      %parallel_loop3A_247 = arith.muli %parallel_loop3A_236, %parallel_loop3A_246 : i32
      %parallel_loop3A_248 = arith.constant 4992 : i32
      %parallel_loop3A_249 = arith.addi %parallel_loop3A_248, %parallel_loop3A_247 : i32
      %parallel_loop3A_250 = arith.index_cast %parallel_loop3A_249 : i32 to index
      %parallel_loop3A_251 = tpu.vector_load %arg13[%parallel_loop3A_250] {strides = array<i32>} : memref<10000xi32, #tpu.memory_space<vmem>>, vector<16xi32>,
      %parallel_loop3A_252 = arith.index_cast %parallel_loop3A_241 : i32 to index
      %parallel_loop3A_253 = tpu.vector_load %arg14[%parallel_loop3A_252] {strides = array<i32>} : memref<10240xf32, #tpu.memory_space<vmem>>, vector<16xf32>,
      %parallel_loop3A_254 = tpu.vector_load_idx %arg15[%parallel_loop3A_243] : memref<10112xf32, #tpu.memory_space<vmem>>[vector<16xi32>], vector<16xf32>,
      %parallel_loop3A_255 = arith.addf %parallel_loop3A_253, %parallel_loop3A_254 : vector<16xf32>
      %parallel_loop3A_256 = tpu.vector_load_idx %arg16[%parallel_loop3A_245] : memref<10112xf32, #tpu.memory_space<vmem>>[vector<16xi32>], vector<16xf32>,
      %parallel_loop3A_257 = arith.addf %parallel_loop3A_255, %parallel_loop3A_256 : vector<16xf32>
      %parallel_loop3A_258 = tpu.vector_load_idx %arg17[%parallel_loop3A_251] : memref<16xf32, #tpu.memory_space<vmem>>[vector<16xi32>], vector<16xf32>,
      %parallel_loop3A_259 = arith.addf %parallel_loop3A_257, %parallel_loop3A_258 : vector<16xf32>
      tpu.vector_store_idx %arg18[%parallel_loop3A_245], %parallel_loop3A_259 {add = true} : memref<10112xf32, #tpu.memory_space<vmem>>[vector<16xi32>], vector<16xf32>,
    } {sc.loop_unroll_factor = 8 : i64, sc.parallel_access}
    "tpu.region"() ({
      %run_scoped3A = tpu.sem_alloc : memref<!tpu.dma_semaphore, #tpu.memory_space<semaphore_mem>>
      %dma_start3A_236 = arith.constant 0 : i32
      %dma_start3A_237 = tpu.memref_slice %arg10[%add3A, %dma_start3A_236] : memref<32x10112xf32, #tpu.memory_space<hbm>> -> memref<1x10112xf32, #tpu.memory_space<hbm>>
      %dma_start3A_238 = tpu.memref_squeeze %dma_start3A_237 : memref<1x10112xf32, #tpu.memory_space<hbm>> -> memref<10112xf32, #tpu.memory_space<hbm>>
      %dma_start3A_239 = arith.constant 0 : i32
      %dma_start3A_240 = tpu.memref_slice %arg10[%add3A, %dma_start3A_239] : memref<32x10112xf32, #tpu.memory_space<hbm>> -> memref<1x10112xf32, #tpu.memory_space<hbm>>
      %dma_start3A_241 = tpu.memref_squeeze %dma_start3A_240 : memref<1x10112xf32, #tpu.memory_space<hbm>> -> memref<10112xf32, #tpu.memory_space<hbm>>
      tpu.enqueue_dma source(%arg18 : memref<10112xf32, #tpu.memory_space<vmem>>) target(%dma_start3A_241 : memref<10112xf32, #tpu.memory_space<hbm>>) target_semaphore(%run_scoped3A : memref<!tpu.dma_semaphore, #tpu.memory_space<semaphore_mem>>)
      %dma_wait3A_242 = arith.constant 0 : i32
      %dma_wait3A_243 = tpu.memref_slice %arg10[%add3A, %dma_wait3A_242] : memref<32x10112xf32, #tpu.memory_space<hbm>> -> memref<1x10112xf32, #tpu.memory_space<hbm>>
      %dma_wait3A_244 = tpu.memref_squeeze %dma_wait3A_243 : memref<1x10112xf32, #tpu.memory_space<hbm>> -> memref<10112xf32, #tpu.memory_space<hbm>>
      %dma_wait3A_245 = arith.constant 0 : i32
      %dma_wait3A_246 = tpu.memref_slice %arg10[%add3A, %dma_wait3A_245] : memref<32x10112xf32, #tpu.memory_space<hbm>> -> memref<1x10112xf32, #tpu.memory_space<hbm>>
      %dma_wait3A_247 = tpu.memref_squeeze %dma_wait3A_246 : memref<1x10112xf32, #tpu.memory_space<hbm>> -> memref<10112xf32, #tpu.memory_space<hbm>>
      tpu.wait_dma2 semaphore(%run_scoped3A : memref<!tpu.dma_semaphore, #tpu.memory_space<semaphore_mem>>) src(%arg18 : memref<10112xf32, #tpu.memory_space<vmem>>) dst(%dma_wait3A_247 : memref<10112xf32, #tpu.memory_space<hbm>>)
      tpu.yield
    }) : () -> ()
    return
  }
}

module attributes {stable_mosaic.version = 14 : i64} {
  func.func @_proj_body(%arg0: i32, %arg1: memref<16x80000xf32, #tpu.memory_space<vmem>>, %arg2: memref<2x80000xi32, #tpu.memory_space<vmem>>, %arg3: memref<10000x128xf32, #tpu.memory_space<vmem>>, %arg4: memref<16x64xf32, #tpu.memory_space<vmem>>, %arg5: memref<1x336xf32, #tpu.memory_space<vmem>>, %arg6: memref<1x129xf32, #tpu.memory_space<vmem>>, %arg7: memref<1x129xf32, #tpu.memory_space<smem>>, %arg8: memref<1x1xf32, #tpu.memory_space<smem>>, %arg9: memref<1x80000xf32, #tpu.memory_space<vmem>>, %arg10: memref<1x80000xi32, #tpu.memory_space<vmem>>, %arg11: memref<1x80000xi32, #tpu.memory_space<vmem>>, %arg12: memref<1x10112xf32, #tpu.memory_space<vmem>>, %arg13: memref<1x10112xf32, #tpu.memory_space<vmem>>, %arg14: memref<1x10112xf32, #tpu.memory_space<vmem>>, %arg15: memref<1x16xf32, #tpu.memory_space<vmem>>) attributes {dimension_semantics = [#tpu.dimension_semantics<arbitrary>], iteration_bounds = array<i64: 4>, scalar_prefetch = 0 : i64, scratch_operands = 0 : i64, tpu.core_type = #tpu.core_type<tc>, window_params = [{transform_indices = @transform_0, window_bounds = array<i64: 16, 80000>}, {transform_indices = @transform_1, window_bounds = array<i64: 2, 80000>}, {pipeline_mode = #tpu.pipeline_mode<synchronous>, transform_indices = @transform_2, window_bounds = array<i64: 10000, 128>}, {pipeline_mode = #tpu.pipeline_mode<synchronous>, transform_indices = @transform_3, window_bounds = array<i64: 16, 64>}, {pipeline_mode = #tpu.pipeline_mode<synchronous>, transform_indices = @transform_4, window_bounds = array<i64: 1, 336>}, {pipeline_mode = #tpu.pipeline_mode<synchronous>, transform_indices = @transform_5, window_bounds = array<i64: 1, 129>}, {transform_indices = @transform_6, window_bounds = array<i64: 1, 129>}, {transform_indices = @transform_7, window_bounds = array<i64: 1, 1>}, {transform_indices = @transform_8, window_bounds = array<i64: 1, 80000>}, {transform_indices = @transform_9, window_bounds = array<i64: 1, 80000>}, {transform_indices = @transform_10, window_bounds = array<i64: 1, 80000>}, {pipeline_mode = #tpu.pipeline_mode<synchronous>, transform_indices = @transform_11, window_bounds = array<i64: 1, 10112>}, {pipeline_mode = #tpu.pipeline_mode<synchronous>, transform_indices = @transform_12, window_bounds = array<i64: 1, 10112>}, {pipeline_mode = #tpu.pipeline_mode<synchronous>, transform_indices = @transform_13, window_bounds = array<i64: 1, 10112>}, {pipeline_mode = #tpu.pipeline_mode<synchronous>, transform_indices = @transform_14, window_bounds = array<i64: 1, 16>}]} {
    %get3A = arith.constant 0 : index
    %get3A_0 = arith.constant 128 : index
    %get3A_1 = memref.load %arg7[%get3A, %get3A_0] : memref<1x129xf32, #tpu.memory_space<smem>>
    %get3A_2 = arith.constant 0 : index
    %get3A_3 = arith.constant 0 : index
    %get3A_4 = vector.load %arg5[%get3A_2, %get3A_3] : memref<1x336xf32, #tpu.memory_space<vmem>>, vector<1x336xf32>
    %mul3A = vector.broadcast %get3A_1 : f32 to vector<1x336xf32>
    %mul3A_5 = arith.mulf %get3A_4, %mul3A : vector<1x336xf32>
    %slice3A = vector.extract_strided_slice %mul3A_5 {offsets = [0, 0], sizes = [1, 16], strides = [1, 1]} : vector<1x336xf32> to vector<1x16xf32>
    %get3A_6 = arith.constant 0 : index
    %get3A_7 = arith.constant 0 : index
    %get3A_8 = vector.load %arg1[%get3A_6, %get3A_7] : memref<16x80000xf32, #tpu.memory_space<vmem>>, vector<16x80000xf32>
    %dot_general3A = arith.constant dense<0.000000e+00> : vector<1x80000xf32>
    %dot_general3A_9 = tpu.matmul %slice3A, %get3A_8, %dot_general3A {dimension_numbers = #tpu.dot_dimension_numbers<[1], [0], [0], [1], [0, 0, 1, 1], [], []>, transpose_lhs_hint = false} : vector<1x16xf32>, vector<16x80000xf32>, vector<1x80000xf32> -> vector<1x80000xf32>
    %get3A_10 = arith.constant 0 : index
    %get3A_11 = arith.constant 0 : index
    %get3A_12 = memref.load %arg8[%get3A_10, %get3A_11] : memref<1x1xf32, #tpu.memory_space<smem>>
    %mul3A_13 = arith.mulf %get3A_12, %get3A_1 : f32
    %add3A = vector.broadcast %mul3A_13 : f32 to vector<1x80000xf32>
    %add3A_14 = arith.addf %dot_general3A_9, %add3A : vector<1x80000xf32>
    %swap3A = arith.constant 0 : index
    %swap3A_15 = arith.constant 0 : index
    %swap3A_16 = vector.load %arg9[%swap3A, %swap3A_15] : memref<1x80000xf32, #tpu.memory_space<vmem>>, vector<1x80000xf32>
    tpu.vector_store %arg9[%swap3A, %swap3A_15], %add3A_14 {strides = array<i32>} : memref<1x80000xf32, #tpu.memory_space<vmem>>, vector<1x80000xf32>,
    %get3A_17 = arith.constant 0 : index
    %get3A_18 = arith.constant 0 : index
    %get3A_19 = vector.load %arg2[%get3A_17, %get3A_18] : memref<2x80000xi32, #tpu.memory_space<vmem>>, vector<1x80000xi32>
    %swap3A_20 = arith.constant 0 : index
    %swap3A_21 = arith.constant 0 : index
    %swap3A_22 = vector.load %arg10[%swap3A_20, %swap3A_21] : memref<1x80000xi32, #tpu.memory_space<vmem>>, vector<1x80000xi32>
    tpu.vector_store %arg10[%swap3A_20, %swap3A_21], %get3A_19 {strides = array<i32>} : memref<1x80000xi32, #tpu.memory_space<vmem>>, vector<1x80000xi32>,
    %get3A_23 = arith.constant 1 : index
    %get3A_24 = arith.constant 0 : index
    %get3A_25 = vector.load %arg2[%get3A_23, %get3A_24] : memref<2x80000xi32, #tpu.memory_space<vmem>>, vector<1x80000xi32>
    %swap3A_26 = arith.constant 0 : index
    %swap3A_27 = arith.constant 0 : index
    %swap3A_28 = vector.load %arg11[%swap3A_26, %swap3A_27] : memref<1x80000xi32, #tpu.memory_space<vmem>>, vector<1x80000xi32>
    tpu.vector_store %arg11[%swap3A_26, %swap3A_27], %get3A_25 {strides = array<i32>} : memref<1x80000xi32, #tpu.memory_space<vmem>>, vector<1x80000xi32>,
    %eq3A = arith.constant 0 : i32
    %eq3A_29 = arith.cmpi eq, %arg0, %eq3A : i32
    %convert_element_type3A = arith.extui %eq3A_29 : i1 to i32
    %cond3A = arith.constant 0 : i32
    %cond3A_30 = arith.cmpi ne, %convert_element_type3A, %cond3A : i32
    scf.if %cond3A_30 {
      %slice3A_31 = vector.extract_strided_slice %mul3A_5 {offsets = [0, 16], sizes = [1, 128], strides = [1, 1]} : vector<1x336xf32> to vector<1x128xf32>
      %slice3A_32 = vector.extract_strided_slice %mul3A_5 {offsets = [0, 144], sizes = [1, 128], strides = [1, 1]} : vector<1x336xf32> to vector<1x128xf32>
      %get3A_33 = arith.constant 0 : index
      %get3A_34 = arith.constant 0 : index
      %get3A_35 = vector.load %arg6[%get3A_33, %get3A_34] : memref<1x129xf32, #tpu.memory_space<vmem>>, vector<1x128xf32>
      %concatenate3A = tpu.concatenate %slice3A_31, %slice3A_32, %get3A_35 in 0 : vector<1x128xf32>, vector<1x128xf32>, vector<1x128xf32> -> vector<3x128xf32>
      %get3A_36 = arith.constant 0 : index
      %get3A_37 = arith.constant 0 : index
      %get3A_38 = vector.load %arg3[%get3A_36, %get3A_37] : memref<10000x128xf32, #tpu.memory_space<vmem>>, vector<10000x128xf32>
      %dot_general3A_39 = arith.constant dense<0.000000e+00> : vector<3x10000xf32>
      %dot_general3A_40 = tpu.matmul %concatenate3A, %get3A_38, %dot_general3A_39 {dimension_numbers = #tpu.dot_dimension_numbers<[1], [1], [0], [0], [0, 0, 1, 0], [], []>, transpose_lhs_hint = false} : vector<3x128xf32>, vector<10000x128xf32>, vector<3x10000xf32> -> vector<3x10000xf32>
      %slice3A_41 = vector.extract_strided_slice %dot_general3A_40 {offsets = [0, 0], sizes = [1, 10000], strides = [1, 1]} : vector<3x10000xf32> to vector<1x10000xf32>
      %swap3A_42 = arith.constant 0 : index
      %swap3A_43 = arith.constant 0 : index
      %swap3A_44 = vector.load %arg12[%swap3A_42, %swap3A_43] : memref<1x10112xf32, #tpu.memory_space<vmem>>, vector<1x10000xf32>
      tpu.vector_store %arg12[%swap3A_42, %swap3A_43], %slice3A_41 {strides = array<i32>} : memref<1x10112xf32, #tpu.memory_space<vmem>>, vector<1x10000xf32>,
      %slice3A_45 = vector.extract_strided_slice %dot_general3A_40 {offsets = [1, 0], sizes = [1, 10000], strides = [1, 1]} : vector<3x10000xf32> to vector<1x10000xf32>
      %swap3A_46 = arith.constant 0 : index
      %swap3A_47 = arith.constant 0 : index
      %swap3A_48 = vector.load %arg13[%swap3A_46, %swap3A_47] : memref<1x10112xf32, #tpu.memory_space<vmem>>, vector<1x10000xf32>
      tpu.vector_store %arg13[%swap3A_46, %swap3A_47], %slice3A_45 {strides = array<i32>} : memref<1x10112xf32, #tpu.memory_space<vmem>>, vector<1x10000xf32>,
      %slice3A_49 = vector.extract_strided_slice %dot_general3A_40 {offsets = [2, 0], sizes = [1, 10000], strides = [1, 1]} : vector<3x10000xf32> to vector<1x10000xf32>
      %swap3A_50 = arith.constant 0 : index
      %swap3A_51 = arith.constant 0 : index
      %swap3A_52 = vector.load %arg14[%swap3A_50, %swap3A_51] : memref<1x10112xf32, #tpu.memory_space<vmem>>, vector<1x10000xf32>
      tpu.vector_store %arg14[%swap3A_50, %swap3A_51], %slice3A_49 {strides = array<i32>} : memref<1x10112xf32, #tpu.memory_space<vmem>>, vector<1x10000xf32>,
      %slice3A_53 = vector.extract_strided_slice %mul3A_5 {offsets = [0, 272], sizes = [1, 64], strides = [1, 1]} : vector<1x336xf32> to vector<1x64xf32>
      %get3A_54 = arith.constant 0 : index
      %get3A_55 = arith.constant 0 : index
      %get3A_56 = vector.load %arg4[%get3A_54, %get3A_55] : memref<16x64xf32, #tpu.memory_space<vmem>>, vector<16x64xf32>
      %dot_general3A_57 = arith.constant dense<0.000000e+00> : vector<1x16xf32>
      %dot_general3A_58 = tpu.matmul %slice3A_53, %get3A_56, %dot_general3A_57 {dimension_numbers = #tpu.dot_dimension_numbers<[1], [1], [0], [0], [0, 0, 1, 0], [], []>, transpose_lhs_hint = false} : vector<1x64xf32>, vector<16x64xf32>, vector<1x16xf32> -> vector<1x16xf32>
      %swap3A_59 = arith.constant 0 : index
      %swap3A_60 = arith.constant 0 : index
      %swap3A_61 = vector.load %arg15[%swap3A_59, %swap3A_60] : memref<1x16xf32, #tpu.memory_space<vmem>>, vector<1x16xf32>
      tpu.vector_store %arg15[%swap3A_59, %swap3A_60], %dot_general3A_58 {strides = array<i32>} : memref<1x16xf32, #tpu.memory_space<vmem>>, vector<1x16xf32>,
    } else {
    }
    return
  }
  func.func @transform_0(%arg0: i32) -> (i32, i32) {
    %c0_i32 = arith.constant 0 : i32
    %c0_i32_0 = arith.constant 0 : i32
    return %c0_i32, %arg0 : i32, i32
  }
  func.func @transform_1(%arg0: i32) -> (i32, i32) {
    %c0_i32 = arith.constant 0 : i32
    %c0_i32_0 = arith.constant 0 : i32
    return %c0_i32, %arg0 : i32, i32
  }
  func.func @transform_2(%arg0: i32) -> (i32, i32) {
    %c0_i32 = arith.constant 0 : i32
    %c0_i32_0 = arith.constant 0 : i32
    %c0_i32_1 = arith.constant 0 : i32
    return %c0_i32, %c0_i32_0 : i32, i32
  }
  func.func @transform_3(%arg0: i32) -> (i32, i32) {
    %c0_i32 = arith.constant 0 : i32
    %c0_i32_0 = arith.constant 0 : i32
    %c0_i32_1 = arith.constant 0 : i32
    return %c0_i32, %c0_i32_0 : i32, i32
  }
  func.func @transform_4(%arg0: i32) -> (i32, i32) {
    %c0_i32 = arith.constant 0 : i32
    %c0_i32_0 = arith.constant 0 : i32
    %c0_i32_1 = arith.constant 0 : i32
    return %c0_i32, %c0_i32_0 : i32, i32
  }
  func.func @transform_5(%arg0: i32) -> (i32, i32) {
    %c0_i32 = arith.constant 0 : i32
    %c0_i32_0 = arith.constant 0 : i32
    %c0_i32_1 = arith.constant 0 : i32
    return %c0_i32, %c0_i32_0 : i32, i32
  }
  func.func @transform_6(%arg0: i32) -> (i32, i32) {
    %c0_i32 = arith.constant 0 : i32
    %c0_i32_0 = arith.constant 0 : i32
    %c0_i32_1 = arith.constant 0 : i32
    return %c0_i32, %c0_i32_0 : i32, i32
  }
  func.func @transform_7(%arg0: i32) -> (i32, i32) {
    %c0_i32 = arith.constant 0 : i32
    %c0_i32_0 = arith.constant 0 : i32
    %c0_i32_1 = arith.constant 0 : i32
    return %c0_i32, %c0_i32_0 : i32, i32
  }
  func.func @transform_8(%arg0: i32) -> (i32, i32) {
    %c0_i32 = arith.constant 0 : i32
    %c0_i32_0 = arith.constant 0 : i32
    return %c0_i32, %arg0 : i32, i32
  }
  func.func @transform_9(%arg0: i32) -> (i32, i32) {
    %c0_i32 = arith.constant 0 : i32
    %c0_i32_0 = arith.constant 0 : i32
    return %c0_i32, %arg0 : i32, i32
  }
  func.func @transform_10(%arg0: i32) -> (i32, i32) {
    %c0_i32 = arith.constant 0 : i32
    %c0_i32_0 = arith.constant 0 : i32
    return %c0_i32, %arg0 : i32, i32
  }
  func.func @transform_11(%arg0: i32) -> (i32, i32) {
    %c0_i32 = arith.constant 0 : i32
    %c0_i32_0 = arith.constant 0 : i32
    %c0_i32_1 = arith.constant 0 : i32
    return %c0_i32, %c0_i32_0 : i32, i32
  }
  func.func @transform_12(%arg0: i32) -> (i32, i32) {
    %c0_i32 = arith.constant 0 : i32
    %c0_i32_0 = arith.constant 0 : i32
    %c0_i32_1 = arith.constant 0 : i32
    return %c0_i32, %c0_i32_0 : i32, i32
  }
  func.func @transform_13(%arg0: i32) -> (i32, i32) {
    %c0_i32 = arith.constant 0 : i32
    %c0_i32_0 = arith.constant 0 : i32
    %c0_i32_1 = arith.constant 0 : i32
    return %c0_i32, %c0_i32_0 : i32, i32
  }
  func.func @transform_14(%arg0: i32) -> (i32, i32) {
    %c0_i32 = arith.constant 0 : i32
    %c0_i32_0 = arith.constant 0 : i32
    %c0_i32_1 = arith.constant 0 : i32
    return %c0_i32, %c0_i32_0 : i32, i32
  }
}

module attributes {stable_mosaic.version = 14 : i64} {
  func.func @_reduce_body(%arg0: memref<32x10112xf32, #tpu.memory_space<vmem>>, %arg1: memref<1x1xf32, #tpu.memory_space<smem>>, %arg2: memref<1x10000xf32, #tpu.memory_space<vmem>>) attributes {dimension_semantics = [], scalar_prefetch = 0 : i64, scratch_operands = 0 : i64, tpu.core_type = #tpu.core_type<tc>} {
    %get3A = arith.constant 0 : index
    %get3A_0 = arith.constant 0 : index
    %get3A_1 = vector.load %arg0[%get3A, %get3A_0] : memref<32x10112xf32, #tpu.memory_space<vmem>>, vector<32x10000xf32>
    %reduce_sum3A = arith.constant dense<0.000000e+00> : vector<10000xf32>
    %reduce_sum3A_2 = vector.multi_reduction <add>, %get3A_1, %reduce_sum3A [0] : vector<32x10000xf32> to vector<10000xf32>
    %broadcast_in_dim3A = vector.shape_cast %reduce_sum3A_2 : vector<10000xf32> to vector<1x10000xf32>
    %get3A_3 = arith.constant 0 : index
    %get3A_4 = arith.constant 0 : index
    %get3A_5 = memref.load %arg1[%get3A_3, %get3A_4] : memref<1x1xf32, #tpu.memory_space<smem>>
    %add3A = vector.broadcast %get3A_5 : f32 to vector<1x10000xf32>
    %add3A_6 = arith.addf %broadcast_in_dim3A, %add3A : vector<1x10000xf32>
    %swap3A = arith.constant 0 : index
    %swap3A_7 = arith.constant 0 : index
    %swap3A_8 = vector.load %arg2[%swap3A, %swap3A_7] : memref<1x10000xf32, #tpu.memory_space<vmem>>, vector<1x10000xf32>
    tpu.vector_store %arg2[%swap3A, %swap3A_7], %add3A_6 {strides = array<i32>} : memref<1x10000xf32, #tpu.memory_space<vmem>>, vector<1x10000xf32>,
    return
  }
}

</mosaic_0001>

<sc_bundles>
// kernel: kernel.5.cloned.1.call-start
scs
__scs_entry_jumppad:
0x0: {  	(pc) =	sbr.rel $0x88, $3  }
0x1: {  	(tag) =	ssettag $0x0;
	lr =	simm.s32 $0x1  }
0x2: {  	[smem:$0x3F98] =	sst lr;
	_ =	strace $0xD0000000  }
0x3: {  	_ = 	snop  }
0x4: {  	_ = 	snop  }
0x5: {  	_ = 	snop  }
0x6: {  	_ = 	snop  }
0x7: {  	_ = 	snop  }
__scs_overlays_trampoline_lowered:
0x8: {  	[smem:$0x3FA7] =	sst s0  }
0x9: {  	[smem:$0x3FA8] =	sst s1  }
0xa: {  	[smem:$0x3FA9] =	sst s2  }
0xb: {  	[smem:$0x3FAA] =	sst s3  }
0xc: {  	[smem:$0x3FAB] =	sst s4  }
0xd: {  	[smem:$0x3FAC] =	sst s5  }
0xe: {  	[smem:$0x3FAD] =	sst s6  }
0xf: {  	[smem:$0x3FAE] =	sst s7  }
0x10: {  	[smem:$0x3FAF] =	sst s8  }
0x11: {  	[smem:$0x3FB0] =	sst s9;
	s0 =	simm.s32 @!p0 $0x0  }
0x12: {  	s1 =	sld [smem:$0x3F96];
	s0 =	simm.s32 @p0 $0x1  }
0x13: {  	[smem:$0x3FB1] =	sst s0;
	s0 =	simm.s32 @!p1 $0x0  }
0x14: {  	s2 =	sld [smem:$0x3F95];
	s0 =	simm.s32 @p1 $0x1  }
0x15: {  	[smem:$0x3FB2] =	sst s0;
	s0 =	simm.s32 @!p2 $0x0  }
0x16: {  	s3 =	sld [smem:$0x3FDB];
	s0 =	simm.s32 @p2 $0x1  }
0x17: {  	s4 =	simm.s32 $0x1BF5;
	[smem:$0x3FB4] =	sst s0  }
0x18: {  	s0 =	sld [smem:$0x3F97];
	_ =	swait.ge [sflag:s4], $0x0  }
0x19: {  	s7 =	sld [smem:$0x3F98]  }
0x1a: {  	s8 =	sadd.s32 $0xFFFFE003, lr  }
0x1b: {  	s9 =	sadd.s32 $0xFFFFFEF7, lr;
	s5 =	simm.s32 $0xFFFFFFFF;
	p2 =	slt.u32 s8, $0xFFFFF086  }
0x1c: {  	p1 =	slt.u32 s9, $0xF7A;
	s5 =	simm.s32 @!p2 $0x0  }
0x1d: {  	s5 =	simm.s32 @p1 $0x1;
	p0 =	seq.s32 s7, s2  }
0x1e: {  	s7 =	smul.u32 @!p0 $0xF7A, s2;
	p2 =	seq.s32 @!p0 s5, $0x0  }
0x1f: {  	s9 =	smul.u32 $0xF7A, s1;
	s8 =	simm.s32 @!p0 $0x1BF5;
	p2 =	por !p2, p0  }
0x20: {  	[sflag:s8] =	ssyncset.s32 @!p0 $0xFFFFF086;
	s6 =	sadd.s32 @!p0 s3, s7;
	s7 =	simm.s32 @!p0 $0x108  }
0x21: {  	s3 =	sadd.s32 s3, s9;
	s6 =	sadd.s32 @!p0 $0x88, s6;
	s7 =	simm.s32 @p2 $0x1082  }
0x22: {  	[simem:s7], [sflag:s8] =	dma.local @!p0 [hbm:s6], $0xF7A  }
0x23: {  	s9 =	sor.u32 $0xD0000000, s2;
	s6 =	simm.s32 $0x108;
	_ =	swait.ge @!p0 [sflag:s8], $0x0  }
0x24: {  	s3 =	sadd.s32 $0x88, s3;
	s6 =	simm.s32 @!p1 $0x1082;
	[sflag:s4] =	ssyncset.s32 $0xFFFFF086  }
0x25: {  	[simem:s6], [sflag:s4] =	dma.local [hbm:s3], $0xF7A  }
0x26: {  	[smem:$0x3F98] =	sst s1;
	(tag) =	ssettag s2;
	_ =	strace s9  }
0x27: {  	s1 =	sld [smem:$0x3FA8]  }
0x28: {  	s2 =	sld [smem:$0x3FA9]  }
0x29: {  	s4 =	sld [smem:$0x3FAB]  }
0x2a: {  	p0 =	seq.s32 s5, $0x0;
	s5 =	sld [smem:$0x3FAC]  }
0x2b: {  	s6 =	sld [smem:$0x3FAD]  }
0x2c: {  	s7 =	sld [smem:$0x3FAE]  }
0x2d: {  	s3 =	simm.s32 $0x108;
	s8 =	sld [smem:$0x3FAF]  }
0x2e: {  	s3 =	simm.s32 @!p0 $0x1082;
	s9 =	sld [smem:$0x3FB0]  }
0x2f: {  	lr =	sadd.s32 s0, s3;
	s0 =	sld [smem:$0x3FA7]  }
0x30: {  	s3 =	sld [smem:$0x3FAA]  }
0x31: {  	[smem:$0x3FB3] =	sst s10  }
0x32: {  	s10 =	sld [smem:$0x3FB1];
	_ =	sdelay $0x3  }
0x33: {  	p0 =	seq.s32 s10, $0x1;
	s10 =	sld [smem:$0x3FB3];
	_ =	sdelay $0x3  }
0x34: {  	[smem:$0x3FB3] =	sst s10  }
0x35: {  	s10 =	sld [smem:$0x3FB2];
	_ =	sdelay $0x3  }
0x36: {  	p1 =	seq.s32 s10, $0x1;
	s10 =	sld [smem:$0x3FB3];
	_ =	sdelay $0x3  }
0x37: {  	[smem:$0x3FB3] =	sst s10  }
0x38: {  	s10 =	sld [smem:$0x3FB4]  }
0x39: {  	_ = 	snop;
	(pc) =	sbr.ind lr, $3  }
0x3a: {  	_ = 	snop  }
0x3b: {  	_ = 	snop  }
0x3c: {  	p2 =	seq.s32 s10, $0x1;
	s10 =	sld [smem:$0x3FB3]  }
0x3d: {  	_ =	shalt  }
0x3e: {  	_ =	shalt  }
0x3f: {  	_ =	shalt  }
0x40: {  	_ =	shalt  }
0x41: {  	_ =	shalt  }
0x42: {  	_ =	shalt  }
0x43: {  	_ =	shalt  }
0x44: {  	_ =	shalt  }
0x45: {  	_ =	shalt  }
0x46: {  	_ =	shalt  }
0x47: {  	_ =	shalt  }
0x48: {  	_ =	shalt  }
0x49: {  	_ =	shalt  }
0x4a: {  	_ =	shalt  }
0x4b: {  	_ =	shalt  }
0x4c: {  	_ =	shalt  }
0x4d: {  	_ =	shalt  }
0x4e: {  	_ =	shalt  }
0x4f: {  	_ =	shalt  }
0x50: {  	_ =	shalt  }
0x51: {  	_ =	shalt  }
0x52: {  	_ =	shalt  }
0x53: {  	_ =	shalt  }
0x54: {  	_ =	shalt  }
0x55: {  	_ =	shalt  }
0x56: {  	_ =	shalt  }
0x57: {  	_ =	shalt  }
0x58: {  	_ =	shalt  }
0x59: {  	_ =	shalt  }
0x5a: {  	_ =	shalt  }
0x5b: {  	_ =	shalt  }
0x5c: {  	_ =	shalt  }
0x5d: {  	_ =	shalt  }
0x5e: {  	_ =	shalt  }
0x5f: {  	_ =	shalt  }
0x60: {  	_ =	shalt  }
0x61: {  	_ =	shalt  }
0x62: {  	_ =	shalt  }
0x63: {  	_ =	shalt  }
0x64: {  	_ =	shalt  }
0x65: {  	_ =	shalt  }
0x66: {  	_ =	shalt  }
0x67: {  	_ =	shalt  }
0x68: {  	_ =	shalt  }
0x69: {  	_ =	shalt  }
0x6a: {  	_ =	shalt  }
0x6b: {  	_ =	shalt  }
0x6c: {  	_ =	shalt  }
0x6d: {  	_ =	shalt  }
0x6e: {  	_ =	shalt  }
0x6f: {  	_ =	shalt  }
0x70: {  	_ =	shalt  }
0x71: {  	_ =	shalt  }
0x72: {  	_ =	shalt  }
0x73: {  	_ =	shalt  }
0x74: {  	_ =	shalt  }
0x75: {  	_ =	shalt  }
0x76: {  	_ =	shalt  }
0x77: {  	_ =	shalt  }
0x78: {  	_ =	shalt  }
0x79: {  	_ =	shalt  }
0x7a: {  	_ =	shalt  }
0x7b: {  	_ =	shalt  }
0x7c: {  	_ =	shalt  }
0x7d: {  	_ =	shalt  }
0x7e: {  	_ =	shalt  }
0x7f: {  	_ =	shalt  }
0x80: {  	_ =	shalt  }
0x81: {  	_ =	shalt  }
0x82: {  	_ =	shalt  }
0x83: {  	_ =	shalt  }
0x84: {  	_ =	shalt  }
0x85: {  	_ =	shalt  }
0x86: {  	_ =	shalt  }
0x87: {  	_ =	shalt  }
.Lfunc_end0:
.L_simem_size_0:
called_computation_lowered:
.L_overlay_start_0:
0x88: {  	s2 =	sld [smem:$0x3FD9]  }
0x89: {  	s3 =	sld [smem:$0x3FFE];
	_ =	sdelay $0x1  }
0x8a: {  	s1 =	srdreg.scid  }
0x8b: {  	s0 =	sand.u32 $0x1, s1  }
0x8c: {  	s17 =	sshll.u32 s0, $0xA;
	s2 =	sadd.s32 s3, s2  }
0x8d: {  	s2 =	sadd.s32 s2, s17  }
0x8e: {  	[smem:$0x3FBF] =	sst s2  }
0x8f: {  	_ = 	snop  }
0x90: {  	s2 =	sld [smem:$0x3FC5]  }
0x91: {  	s18 =	sld [smem:$0x3FD0];
	(tm) =	ssettm $0x1  }
0x92: {  	s4 =	sld [smem:$0x3FFB];
	_ =	sdelay $0x3  }
0x93: {  	_ =	strace s4  }
0x94: {  	s4 =	sld [smem:$0x3FFC];
	_ =	sdelay $0x3  }
0x95: {  	_ =	strace s4  }
0x96: {  	s4 =	sld [smem:$0x3FFD];
	_ =	sdelay $0x3  }
0x97: {  	_ =	strace s4  }
0x98: {  	_ =	strace $0x8FFFFFFF  }
0x99: {  	s19 =	sld [smem:$0x3FDB];
	_ =	sdelay $0x1  }
0x9a: {  	s5 =	simm.s32 $_scs_section_size  }
0x9b: {  	s6 =	simm.s32 $_size__tile_overlayer_lowered;
	s7 =	simm.s32 $_tile_overlayer_lowered  }
0x9c: {  	s22 =	simm.s32 $0x1BFF;
	s21 =	sshll.u32 s7, $0x1;
	s4 =	sadd.s32 s5, s19  }
0x9d: {  	s8 =	simm.s32 $0x0;
	s20 =	sshll.u32 s6, $0x1;
	s6 =	sadd.s32 s21, s4  }
0x9e: {  	[timem:s8], [sflag:s22] =	dma.local [hbm:s6], s20  }
0x9f: {  	_ =	swait.ge [sflag:s22], s20  }
0xa0: {  	s5 =	ssub.s32 $0x0, s20;
	[sflag:s22] =	ssyncset.done $0x0  }
0xa1: {  	[sflag:s22] =	ssyncadd.s32 s5;
	_ =	sdelay $0x1  }
0xa2: {  	s23 =	simm.s32 $0x1B8B  }
0xa3: {  	_ =	swait.ge [sflag:s23], $0x1  }
0xa4: {  	[sflag:s23] =	ssyncset.done $0x0  }
0xa5: {  	s25 =	simm.s32 $0x1B8E;
	s24 =	sld [smem:$0x3FFE];
	[sflag:s23] =	ssyncadd.s32 $0xFFFFFFFF  }
0xa6: {  	s26 =	simm.s32 $execute0_lowered;
	[smem:$0x3FD2] =	sst s25  }
0xa7: {  	s6 =	sshll.u32 s26, $0x1;
	_ =	strace $0x80000046;
	[dreg:$0x1] =	wrdreg $0xFFFFFFFF  }
0xa8: {  	s28 =	simm.s32 $_size_execute0_lowered;
	s4 =	sadd.s32 s4, s6;
	[dreg:$0x0] =	wrdreg $0x0  }
0xa9: {  	s6 =	sshll.u32 s28, $0x1;
	[dreg:$0x2] =	wrdreg s4  }
0xaa: {  	[dreg:$0x3] =	wrdreg s6  }
0xab: {  	[dreg:$0x4] =	wrdreg $0xC0  }
0xac: {  	_ =	task [dreg:s8], $0x5FFFF  }
0xad: {  	[dreg:$0x1] =	wrdreg $0xFFFFFFFF  }
0xae: {  	[dreg:$0x0] =	wrdreg $0x60  }
0xaf: {  	[dreg:$0x2] =	wrdreg s24  }
0xb0: {  	[dreg:$0x3] =	wrdreg s2  }
0xb1: {  	[dreg:$0x4] =	wrdreg s18  }
0xb2: {  	[dreg:$0x5] =	wrdreg $0x9  }
0xb3: {  	_ =	task.clear_ibuf [dreg:s8], $0x6FFFF;
	_ =	strace $0x90000046  }
0xb4: {  	s29 =	simm.s32 $0x9;
	_ =	strace $0x80000048  }
0xb5: {  	_ =	swait.ge [sflag:s29], $0x1  }
0xb6: {  	[sflag:s29] =	ssyncadd.s32 $0xFFFFFFFF  }
0xb7: {  	_ =	strace $0x90000048  }
0xb8: {  	_ =	sfence  }
0xb9: {  	s30 =	sld [smem:$0x0];
	_ =	sdelay $0x2  }
0xba: {  	s31 =	sshll.u32 s1, $0xD;
	s1 =	sshrl.u32 s1, $0x2  }
0xbb: {  	s3 =	sand.u32 $0x4000, s31;
	s1 =	sadd.s32 s1, s30  }
0xbc: {  	s0 =	sor.u32 s3, s0;
	s1 =	sshll.u32 s1, $0x11  }
0xbd: {  	s0 =	sor.u32 s1, s0  }
0xbe: {  	s0 =	sadd.s32 $0x8F2B, s0  }
0xbf: {  	[sflag:s0] =	ssyncadd.remote.s32 $0x1  }
0xc0: {  	_ =	sfence.sel $0xFFFF  }
0xc1: {  	[dreg:$0x0] =	wrdreg $0xFFFFFFFF;
	(pc) =	sbr.abs _section_cstart, $3  }
0xc2: {  	[dreg:$0x1] =	wrdreg $0xFFFFFFFF  }
0xc3: {  	_ =	task.clear_ibuf [dreg:s8], $0x2FFFF;
	_ =	strace $0x9FFFFFFF  }
0xc4: {  	(tm) =	ssettm $0x7FFFFFFF  }
0xc5: {  	_ =	shalt  }
tec
execute0_lowered:
.L_overlay_start_1:
0x0: {  	(tag) =	ssettag $0x1  }
0x1: {  	s0 =	rddreg [dreg:$0x0]  }
0x2: {  	s1 =	rddreg [dreg:$0x1]  }
0x3: {  	s2 =	simm.s32 $0x0;
	s4 =	srdreg.scid;
	s12 =	stileid.u32  }
0x4: {  	s28 =	simm.s32 $0x9F80;
	s29 =	simm.s32 $0xC700;
	s30 =	simm.s32 $0xEE80  }
0x5: {  	[smem:$0x7FF] =	sst s2;
	s3 =	sadd.s32 $0x2000, s0;
	s5 =	sadd.s32 $0x15C00, s0  }
0x6: {  	s4 =	sand.u32 $0x1, s4;
	s6 =	sshll.u32 s12, $0x1;
	s14 =	sadd.s32 $0xBE00, s0  }
0x7: {  	s7 =	sshrl.u32 s12, $0x2;
	s8 =	sadd.s32 $0x1FA00, s0;
	s9 =	sadd.s32 $0x20600, s0  }
0x8: {  	s10 =	sadd.s32 $0x20000, s0;
	s16 =	smul.u32 $0x4E20, s12;
	_ =	strace $0x80000047  }
0x9: {  	s6 =	sor.u32 s4, s6;
	[dreg:$0x4] =	wrdreg s8;
	s7 =	smul.u32 $0x13C00, s7  }
0xa: {  	[dreg:$0x5] =	wrdreg s9;
	s23 =	ssub.s32 $0x2, s4;
	s4 =	smul.u32 $0x2710, s4  }
0xb: {  	[dreg:$0x6] =	wrdreg s10;
	s21 =	sshll.u32 s6, $0x7;
	s22 =	smul.u32 $0x2710, s6  }
0xc: {  	s24 =	sshrl.u32 s23, $0x1;
	p0 =	sne.s32 s6, $0x0;
	s8 =	sand.u32 $0x380, s21  }
0xd: {  	s17 =	ssub.s32 s23, s24;
	s26 =	sadd.s32 s4, s16;
	s24 =	simm.s32 $0x3  }
0xe: {  	s7 =	sor.u32 s7, s8;
	s11 =	sshrl.u32 s22, $0x3;
	s15 =	sand.u32 $0x70, s22  }
0xf: {  	s17 =	smax.u32 s17, $0x1;
	s31 =	sand.u32 $0x70, s26;
	s26 =	simm.s32 $0x2  }
0x10: {  	s7 =	sshrl.u32 s7, $0x3;
	s25 =	sand.u32 $0xFFF0, s11;
	s9 =	sadd.s32 s1, s11  }
0x11: {  	s13 =	sadd.s32 $0x270, s11;
	s15 =	sor.u32 $0x2780, s15;
	s4 =	sadd.s32 $0x2840, s31  }
0x12: {  	s21 =	sadd.s32 $0x1470, s31;
	s22 =	sadd.s32 $0x3C70, s31;
	s23 =	sadd.s32 $0x8BF0, s31  }
0x13: {  	s0 =	sadd.s32 s7, s0;
	s7 =	sadd.s32 s3, s25;
	s8 =	sadd.s32 s5, s25  }
0x14: {  	s10 =	sadd.s32 s14, s25;
	s18 =	sand.u32 $0x1FFF0, s13;
	s13 =	sadd.s32 s1, s13  }
0x15: {  	s1 =	simm.s32 $0xEF00;
	s25 =	simm.s32 $0x1;
	s11 =	sadd.s32 s3, s18  }
0x16: {  	s12 =	sadd.s32 s5, s18;
	s14 =	sadd.s32 s14, s18;
	s16 =	sadd.s32 $0x20800, s0  }
0x17: {  	v0 =	vimm.f32 $0.0e+00;
	s18 =	sadd.s32 $0x40, s31;
	s5 =	sadd.s32 $0x77C0, s31;
	s3 =	simm.s32 $0x0  }
.LBB2_1:
0x18: {  	[tilespmem:s2], [sflag:$0x1] =	stream.linear.gather [hbm4b:s7+s2], $0x1400, $0x38;
	[tilespmem:$0x11680] =	vst v63  }
0x19: {  	s0 =	simm.s32 $0x2800  }
0x1a: {  	[tilespmem:s0], [sflag:$0x1] =	stream.linear.gather [hbm4b:s8+s2], $0x1400, $0x38;
	[tilespmem:$0x11680] =	vst v63  }
0x1b: {  	s31 =	simm.s32 $0x5000  }
0x1c: {  	[tilespmem:s31], [sflag:$0x1] =	stream.linear.gather [hbm4b:s9+s2], $0x1380, $0x38;
	[tilespmem:$0x11680] =	vst v63  }
0x1d: {  	s6 =	simm.s32 $0x7780  }
0x1e: {  	[tilespmem:s6], [sflag:$0x1] =	stream.linear.gather [hbm4b:s10+s2], $0x1400, $0x38;
	[tilespmem:$0x11680] =	vst v63  }
0x1f: {  	s19 =	rddreg [dreg:$0x2]  }
0x20: {  	[tilespmem:s28], [sflag:$0x1] =	stream.linear.gather [hbm4b:s19+s2], $0x2780, $0x38;
	[tilespmem:$0x11680] =	vst v63  }
0x21: {  	s20 =	rddreg [dreg:$0x4]  }
0x22: {  	[tilespmem:s29], [sflag:$0x1] =	stream.linear.gather [hbm4b:s20+s2], $0x2780, $0x38;
	[tilespmem:$0x11680] =	vst v63  }
0x23: {  	s31 =	rddreg [dreg:$0x5]  }
0x24: {  	[tilespmem:s30], [sflag:$0x1] =	stream.linear.gather [hbm4b:s31+s2], $0x80, $0x38;
	[tilespmem:$0x11680] =	vst v63  }
0x25: {  	s6 =	simm.s32 $0x1400  }
0x26: {  	[tilespmem:s6], [sflag:$0x2] =	stream.linear.gather [hbm4b:s11+s2], $0x1400, $0x38;
	[tilespmem:$0x11680] =	vst v63  }
0x27: {  	s19 =	simm.s32 $0x3C00  }
0x28: {  	[tilespmem:s19], [sflag:$0x2] =	stream.linear.gather [hbm4b:s12+s2], $0x1400, $0x38;
	[tilespmem:$0x11680] =	vst v63  }
.Ltmp0:
0x29: {  	_ = 	snop;
	(pc) =	sbr.rel @!p0 .LBB2_11-.Ltmp0, $4  }
0x2a: {  	s20 =	simm.s32 $0x6380  }
0x2b: {  	[tilespmem:s20], [sflag:$0x2] =	stream.linear.gather [hbm4b:s13+s2], $0x1390, $0x38;
	[tilespmem:$0x11680] =	vst v63  }
0x2c: {  	s31 =	simm.s32 $0x8B80  }
0x2d: {  	[tilespmem:s31], [sflag:$0x2] =	stream.linear.gather [hbm4b:s14+s2], $0x1400, $0x38;
	[tilespmem:$0x11680] =	vst v63  }
0x2e: {  	s0 =	simm.s32 $0xEF40  }
0x2f: {  	[tilespmem:s0+$0xFFFFFFC0] =	vst v0  }
0x30: {  	[tilespmem:s0+$0x30] =	vst v0  }
0x31: {  	[tilespmem:s0+$0x20] =	vst v0  }
0x32: {  	[tilespmem:s0+$0x10] =	vst v0  }
0x33: {  	[tilespmem:s0+$0x0] =	vst v0  }
0x34: {  	[tilespmem:s0+$0xFFFFFFF0] =	vst v0  }
0x35: {  	s6 =	simm.s32 $0x0;
	[tilespmem:s0+$0xFFFFFFE0] =	vst v0  }
.LBB2_3:
0x36: {  	s6 =	sadd.s32 $0x8, s6;
	[tilespmem:s0+$0xFFFFFFD0] =	vst v0;
	s0 =	sadd.s32 $0x80, s0  }
0x37: {  	[tilespmem:s0+$0xFFFFFFC0] =	vst v0;
	p1 =	slt.u32 s6, $0x270  }
0x38: {  	[tilespmem:s0+$0x30] =	vst v0  }
.Ltmp1:
0x39: {  	[tilespmem:s0+$0x20] =	vst v0;
	(pc) =	sbr.rel @p1 .LBB2_3-.Ltmp1, $4  }
0x3a: {  	[tilespmem:s0+$0x10] =	vst v0  }
0x3b: {  	[tilespmem:s0+$0x0] =	vst v0  }
0x3c: {  	[tilespmem:s0+$0xFFFFFFF0] =	vst v0  }
0x3d: {  	[tilespmem:s0+$0xFFFFFFE0] =	vst v0  }
.Ltmp2:
0x3e: {  	(pc) =	sbr.rel .LBB2_5-.Ltmp2, $2  }
0x3f: {  	_ =	sdelay $0x2  }
0x40: {  	[tilespmem:s0+$0xFFFFFFD0] =	vst v0  }
.LBB2_11:
0x41: {  	s0 =	rddreg [dreg:$0x6]  }
0x42: {  	[tilespmem:s1], [sflag:$0x3] =	stream.linear.gather [hbm4b:s0+s2], $0x2780, $0x38;
	[tilespmem:$0x11680] =	vst v63  }
0x43: {  	_ =	swait.ge [sflag:s24], $0x2780  }
0x44: {  	[sflag:s24] =	ssyncset.done $0x0  }
0x45: {  	[sflag:s24] =	ssyncadd.s32 $0xFFFFD880  }
.LBB2_5:
0x46: {  	_ =	swait.ge [sflag:s25], $0x1400  }
0x47: {  	[sflag:s25] =	ssyncset.done $0x0  }
0x48: {  	[sflag:s25] =	ssyncadd.s32 $0xFFFFEC00  }
0x49: {  	_ =	swait.ge [sflag:s25], $0x1400  }
0x4a: {  	[sflag:s25] =	ssyncset.done $0x0  }
0x4b: {  	[sflag:s25] =	ssyncadd.s32 $0xFFFFEC00  }
0x4c: {  	_ =	swait.ge [sflag:s25], $0x1380  }
0x4d: {  	[sflag:s25] =	ssyncset.done $0x0  }
0x4e: {  	[sflag:s25] =	ssyncadd.s32 $0xFFFFEC80  }
0x4f: {  	_ =	swait.ge [sflag:s25], $0x1400  }
0x50: {  	[sflag:s25] =	ssyncset.done $0x0  }
0x51: {  	[sflag:s25] =	ssyncadd.s32 $0xFFFFEC00  }
0x52: {  	_ =	swait.ge [sflag:s25], $0x2780  }
0x53: {  	[sflag:s25] =	ssyncset.done $0x0  }
0x54: {  	[sflag:s25] =	ssyncadd.s32 $0xFFFFD880  }
0x55: {  	_ =	swait.ge [sflag:s25], $0x2780  }
0x56: {  	[sflag:s25] =	ssyncset.done $0x0  }
0x57: {  	[sflag:s25] =	ssyncadd.s32 $0xFFFFD880  }
0x58: {  	_ =	swait.ge [sflag:s25], $0x80  }
0x59: {  	[sflag:s25] =	ssyncset.done $0x0  }
0x5a: {  	[sflag:s25] =	ssyncadd.s32 $0xFFFFFF80  }
0x5b: {  	v1 =	vld [tilespmem:s18+$0x30]  }
0x5c: {  	v2 =	vld [tilespmem:s18+$0xFFFFFFD0]  }
0x5d: {  	v3 =	vld [tilespmem:s4+$0x30]  }
0x5e: {  	s6 =	simm.s32 $0x5040;
	v4 =	vld [tilespmem:s18+$0xFFFFFFE0]  }
0x5f: {  	v5 =	vld [tilespmem:s6+$0x30]  }
0x60: {  	v6 =	vld [tilespmem:s18+$0xFFFFFFF0]  }
0x61: {  	v7 =	vld [tilespmem:s18+$0x0]  }
0x62: {  	v8 =	vld [tilespmem:s18+$0x10]  }
0x63: {  	v9 =	vld [tilespmem:s5+$0x30]  }
0x64: {  	v11 =	vld [tilespmem:s18+$0x20]  }
0x65: {  	v12 =	vld [tilespmem:s18+$0xFFFFFFC0]  }
0x66: {  	v13 =	vld [tilespmem:s4+$0xFFFFFFC0]  }
0x67: {  	v58 =	vld [tilespmem:s4+$0xFFFFFFD0]  }
0x68: {  	v14 =	vld [tilespmem:s4+$0xFFFFFFE0]  }
0x69: {  	v59 =	vld [tilespmem:s4+$0xFFFFFFF0]  }
0x6a: {  	v15 =	vld [tilespmem:s4+$0x0]  }
0x6b: {  	v60 =	vld [tilespmem:s4+$0x10]  }
0x6c: {  	v16 =	vld [tilespmem:s6+$0xFFFFFFD0]  }
0x6d: {  	v17 =	vld [tilespmem:s6+$0xFFFFFFE0]  }
0x6e: {  	v18 =	vld [tilespmem:s6+$0xFFFFFFF0]  }
0x6f: {  	v19 =	vld [tilespmem:s6+$0x0]  }
0x70: {  	v20 =	vld [tilespmem:s6+$0x10]  }
0x71: {  	v21 =	vld [tilespmem:s6+$0x20]  }
0x72: {  	v22 =	vld [tilespmem:s5+$0xFFFFFFC0]  }
0x73: {  	v23 =	vld [tilespmem:s5+$0xFFFFFFD0]  }
0x74: {  	v24 =	vld [tilespmem:s5+$0xFFFFFFE0]  }
0x75: {  	v25 =	vld [tilespmem:s5+$0xFFFFFFF0]  }
0x76: {  	v26 =	vld [tilespmem:s5+$0x0]  }
0x77: {  	v27 =	vld [tilespmem:s5+$0x10]  }
0x78: {  	v28 =	vld [tilespmem:s5+$0x20]  }
0x79: {  	v1 =	vld.idx.msk [tilespmem:v1+s28+$0x0], $0xffff  }
0x7a: {  	v10 =	vld.idx.msk [tilespmem:v3+s29+$0x0], $0xffff  }
0x7b: {  	v5 =	vld.idx.msk [tilespmem:v5+s30+$0x0], $0xffff  }
0x7c: {  	v12 =	vld.idx.msk [tilespmem:v12+s28+$0x0], $0xffff  }
0x7d: {  	v2 =	vld.idx.msk [tilespmem:v2+s28+$0x0], $0xffff  }
0x7e: {  	v4 =	vld.idx.msk [tilespmem:v4+s28+$0x0], $0xffff  }
0x7f: {  	v6 =	vld.idx.msk [tilespmem:v6+s28+$0x0], $0xffff;
	v1 =	vadd.f32 v1, v9  }
0x80: {  	v7 =	vld.idx.msk [tilespmem:v7+s28+$0x0], $0xffff  }
0x81: {  	v8 =	vld.idx.msk [tilespmem:v8+s28+$0x0], $0xffff;
	v1 =	vadd.f32 v10, v1  }
0x82: {  	v11 =	vld.idx.msk [tilespmem:v11+s28+$0x0], $0xffff  }
0x83: {  	v29 =	vld.idx.msk [tilespmem:v13+s29+$0x0], $0xffff;
	v1 =	vadd.f32 v5, v1  }
0x84: {  	v30 =	vld.idx.msk [tilespmem:v58+s29+$0x0], $0xffff  }
0x85: {  	[tilespmem:v3+s1+$0x0] =	vst.idx.add.f32.msk $0xffff, v1  }
0x86: {  	v3 =	vld [tilespmem:s6+$0xFFFFFFC0]  }
0x87: {  	v31 =	vld.idx.msk [tilespmem:v14+s29+$0x0], $0xffff  }
0x88: {  	v32 =	vld.idx.msk [tilespmem:v59+s29+$0x0], $0xffff  }
0x89: {  	v33 =	vld.idx.msk [tilespmem:v15+s29+$0x0], $0xffff  }
0x8a: {  	v1 =	vld [tilespmem:s4+$0x20]  }
0x8b: {  	v34 =	vld.idx.msk [tilespmem:v60+s29+$0x0], $0xffff  }
0x8c: {  	v16 =	vld.idx.msk [tilespmem:v16+s30+$0x0], $0xffff  }
0x8d: {  	v17 =	vld.idx.msk [tilespmem:v17+s30+$0x0], $0xffff;
	v12 =	vadd.f32 v12, v22  }
0x8e: {  	v2 =	vadd.f32 v2, v23;
	v4 =	vadd.f32 v4, v24;
	v3 =	vld.idx.msk [tilespmem:v3+s30+$0x0], $0xffff  }
0x8f: {  	v18 =	vld.idx.msk [tilespmem:v18+s30+$0x0], $0xffff;
	v6 =	vadd.f32 v6, v25;
	v7 =	vadd.f32 v7, v26  }
0x90: {  	v19 =	vld.idx.msk [tilespmem:v19+s30+$0x0], $0xffff;
	v8 =	vadd.f32 v8, v27;
	v2 =	vadd.f32 v30, v2  }
0x91: {  	v20 =	vld.idx.msk [tilespmem:v20+s30+$0x0], $0xffff;
	v11 =	vadd.f32 v11, v28;
	v12 =	vadd.f32 v29, v12  }
0x92: {  	v6 =	vadd.f32 v32, v6;
	v2 =	vadd.f32 v16, v2;
	v35 =	vld.idx.msk [tilespmem:v1+s29+$0x0], $0xffff  }
0x93: {  	v61 =	vld.idx.msk [tilespmem:v21+s30+$0x0], $0xffff;
	v4 =	vadd.f32 v31, v4;
	v3 =	vadd.f32 v3, v12  }
0x94: {  	v62 =	vadd.f32 v34, v8;
	[tilespmem:v58+s1+$0x0] =	vst.idx.add.f32.msk $0xffff, v2;
	v2 =	vadd.f32 v18, v6  }
0x95: {  	v7 =	vadd.f32 v33, v7;
	[tilespmem:v13+s1+$0x0] =	vst.idx.add.f32.msk $0xffff, v3;
	v3 =	vadd.f32 v17, v4  }
0x96: {  	[tilespmem:v59+s1+$0x0] =	vst.idx.add.f32.msk $0xffff, v2;
	v4 =	vadd.f32 v20, v62  }
0x97: {  	v63 =	vadd.f32 v35, v11;
	[tilespmem:v14+s1+$0x0] =	vst.idx.add.f32.msk $0xffff, v3;
	v3 =	vadd.f32 v19, v7  }
0x98: {  	s31 =	simm.s32 $0x0;
	[tilespmem:v60+s1+$0x0] =	vst.idx.add.f32.msk $0xffff, v4  }
0x99: {  	s0 =	sadd.s32 $0x80, s18;
	s19 =	smov.u32 s4;
	s20 =	smov.u32 s5;
	v2 =	vadd.f32 v61, v63;
	[tilespmem:v15+s1+$0x0] =	vst.idx.add.f32.msk $0xffff, v3  }
.LBB2_6:
0x9a: {  	v3 =	vld [tilespmem:s0+$0x30];
	s31 =	sadd.s32 $0x8, s31  }
0x9b: {  	s19 =	sadd.s32 $0x80, s19;
	v4 =	vld [tilespmem:s0+$0xFFFFFFD0];
	p1 =	slt.u32 s31, $0x130  }
0x9c: {  	v5 =	vld [tilespmem:s19+$0x30]  }
0x9d: {  	s6 =	sadd.s32 $0x80, s6;
	v6 =	vld [tilespmem:s0+$0xFFFFFFE0]  }
0x9e: {  	v7 =	vld [tilespmem:s6+$0x30]  }
0x9f: {  	v8 =	vld [tilespmem:s0+$0xFFFFFFF0]  }
0xa0: {  	v9 =	vld [tilespmem:s0+$0x0]  }
0xa1: {  	v10 =	vld [tilespmem:s0+$0x10]  }
0xa2: {  	s20 =	sadd.s32 $0x80, s20;
	v3 =	vld.idx.msk [tilespmem:v3+s28+$0x0], $0xffff  }
0xa3: {  	v11 =	vld [tilespmem:s20+$0x30]  }
0xa4: {  	v12 =	vld.idx.msk [tilespmem:v5+s29+$0x0], $0xffff  }
0xa5: {  	v13 =	vld [tilespmem:s0+$0x20]  }
0xa6: {  	v7 =	vld.idx.msk [tilespmem:v7+s30+$0x0], $0xffff  }
0xa7: {  	v14 =	vld [tilespmem:s0+$0xFFFFFFC0]  }
0xa8: {  	v15 =	vld [tilespmem:s19+$0xFFFFFFC0];
	v3 =	vadd.f32 v3, v11  }
0xa9: {  	v11 =	vld [tilespmem:s19+$0xFFFFFFD0]  }
0xaa: {  	v16 =	vld [tilespmem:s19+$0xFFFFFFE0];
	v3 =	vadd.f32 v12, v3  }
0xab: {  	v12 =	vld [tilespmem:s19+$0xFFFFFFF0]  }
0xac: {  	v17 =	vld [tilespmem:s19+$0x0];
	v3 =	vadd.f32 v7, v3  }
0xad: {  	v7 =	vld [tilespmem:s19+$0x10]  }
0xae: {  	[tilespmem:v5+s1+$0x0] =	vst.idx.add.f32.msk $0xffff, v3  }
0xaf: {  	v3 =	vld [tilespmem:s19+$0x20]  }
0xb0: {  	v5 =	vld [tilespmem:s6+$0xFFFFFFC0]  }
0xb1: {  	v18 =	vld [tilespmem:s6+$0xFFFFFFD0]  }
0xb2: {  	v19 =	vld [tilespmem:s6+$0xFFFFFFE0]  }
0xb3: {  	v20 =	vld [tilespmem:s6+$0xFFFFFFF0]  }
0xb4: {  	v21 =	vld [tilespmem:s6+$0x0]  }
0xb5: {  	v22 =	vld [tilespmem:s6+$0x10]  }
0xb6: {  	v23 =	vld [tilespmem:s6+$0x20]  }
0xb7: {  	v14 =	vld.idx.msk [tilespmem:v14+s28+$0x0], $0xffff  }
0xb8: {  	v4 =	vld.idx.msk [tilespmem:v4+s28+$0x0], $0xffff  }
0xb9: {  	v6 =	vld.idx.msk [tilespmem:v6+s28+$0x0], $0xffff  }
0xba: {  	v8 =	vld.idx.msk [tilespmem:v8+s28+$0x0], $0xffff  }
0xbb: {  	v9 =	vld.idx.msk [tilespmem:v9+s28+$0x0], $0xffff  }
0xbc: {  	v10 =	vld.idx.msk [tilespmem:v10+s28+$0x0], $0xffff  }
0xbd: {  	v13 =	vld.idx.msk [tilespmem:v13+s28+$0x0], $0xffff  }
0xbe: {  	v24 =	vld [tilespmem:s20+$0xFFFFFFC0]  }
0xbf: {  	v25 =	vld [tilespmem:s20+$0xFFFFFFD0]  }
0xc0: {  	v26 =	vld [tilespmem:s20+$0xFFFFFFE0]  }
0xc1: {  	v27 =	vld [tilespmem:s20+$0xFFFFFFF0]  }
0xc2: {  	v28 =	vld [tilespmem:s20+$0x0]  }
0xc3: {  	v14 =	vadd.f32 v14, v24;
	v24 =	vld [tilespmem:s20+$0x10]  }
0xc4: {  	v4 =	vadd.f32 v4, v25;
	v25 =	vld [tilespmem:s20+$0x20]  }
0xc5: {  	v29 =	vld.idx.msk [tilespmem:v15+s29+$0x0], $0xffff;
	v6 =	vadd.f32 v6, v26  }
0xc6: {  	v26 =	vld.idx.msk [tilespmem:v11+s29+$0x0], $0xffff;
	v8 =	vadd.f32 v8, v27  }
0xc7: {  	v27 =	vld.idx.msk [tilespmem:v16+s29+$0x0], $0xffff;
	v9 =	vadd.f32 v9, v28  }
0xc8: {  	v28 =	vld.idx.msk [tilespmem:v12+s29+$0x0], $0xffff;
	v10 =	vadd.f32 v10, v24  }
0xc9: {  	v24 =	vld.idx.msk [tilespmem:v17+s29+$0x0], $0xffff;
	v13 =	vadd.f32 v13, v25  }
0xca: {  	v25 =	vld.idx.msk [tilespmem:v7+s29+$0x0], $0xffff  }
0xcb: {  	v14 =	vadd.f32 v29, v14;
	v29 =	vld.idx.msk [tilespmem:v3+s29+$0x0], $0xffff  }
0xcc: {  	v4 =	vadd.f32 v26, v4;
	v5 =	vld.idx.msk [tilespmem:v5+s30+$0x0], $0xffff  }
0xcd: {  	v6 =	vadd.f32 v27, v6;
	v18 =	vld.idx.msk [tilespmem:v18+s30+$0x0], $0xffff  }
0xce: {  	v8 =	vadd.f32 v28, v8;
	v19 =	vld.idx.msk [tilespmem:v19+s30+$0x0], $0xffff  }
0xcf: {  	v9 =	vadd.f32 v24, v9;
	v20 =	vld.idx.msk [tilespmem:v20+s30+$0x0], $0xffff  }
0xd0: {  	v10 =	vadd.f32 v25, v10;
	v21 =	vld.idx.msk [tilespmem:v21+s30+$0x0], $0xffff  }
0xd1: {  	v13 =	vadd.f32 v29, v13;
	v22 =	vld.idx.msk [tilespmem:v22+s30+$0x0], $0xffff  }
0xd2: {  	v5 =	vadd.f32 v5, v14;
	v14 =	vld.idx.msk [tilespmem:v23+s30+$0x0], $0xffff  }
0xd3: {  	v4 =	vadd.f32 v18, v4;
	[tilespmem:v1+s1+$0x0] =	vst.idx.add.f32.msk $0xffff, v2;
	v1 =	vmov v3  }
0xd4: {  	v2 =	vadd.f32 v19, v6;
	[tilespmem:v15+s1+$0x0] =	vst.idx.add.f32.msk $0xffff, v5  }
.Ltmp3:
0xd5: {  	v3 =	vadd.f32 v20, v8;
	[tilespmem:v11+s1+$0x0] =	vst.idx.add.f32.msk $0xffff, v4;
	(pc) =	sbr.rel @p1 .LBB2_6-.Ltmp3, $4  }
0xd6: {  	[tilespmem:v16+s1+$0x0] =	vst.idx.add.f32.msk $0xffff, v2;
	v2 =	vadd.f32 v21, v9  }
0xd7: {  	[tilespmem:v12+s1+$0x0] =	vst.idx.add.f32.msk $0xffff, v3;
	v3 =	vadd.f32 v22, v10  }
0xd8: {  	[tilespmem:v17+s1+$0x0] =	vst.idx.add.f32.msk $0xffff, v2;
	v2 =	vadd.f32 v14, v13  }
0xd9: {  	s0 =	sadd.s32 $0x80, s0;
	[tilespmem:v7+s1+$0x0] =	vst.idx.add.f32.msk $0xffff, v3  }
0xda: {  	_ =	sdelay $0x3  }
0xdb: {  	[tilespmem:v1+s1+$0x0] =	vst.idx.add.f32.msk $0xffff, v2  }
0xdc: {  	_ =	swait.ge [sflag:s26], $0x1400  }
0xdd: {  	[sflag:s26] =	ssyncset.done $0x0  }
0xde: {  	[sflag:s26] =	ssyncadd.s32 $0xFFFFEC00  }
0xdf: {  	_ =	swait.ge [sflag:s26], $0x1400  }
0xe0: {  	[sflag:s26] =	ssyncset.done $0x0  }
0xe1: {  	[sflag:s26] =	ssyncadd.s32 $0xFFFFEC00  }
0xe2: {  	_ =	swait.ge [sflag:s26], $0x1390  }
0xe3: {  	[sflag:s26] =	ssyncset.done $0x0  }
0xe4: {  	[sflag:s26] =	ssyncadd.s32 $0xFFFFEC70  }
0xe5: {  	_ =	swait.ge [sflag:s26], $0x1400  }
0xe6: {  	[sflag:s26] =	ssyncset.done $0x0  }
0xe7: {  	[sflag:s26] =	ssyncadd.s32 $0xFFFFEC00  }
0xe8: {  	v1 =	vld [tilespmem:s21+$0x0]  }
0xe9: {  	v2 =	vld [tilespmem:s21+$0xFFFFFFA0]  }
0xea: {  	v3 =	vld [tilespmem:s22+$0x0]  }
0xeb: {  	s6 =	simm.s32 $0x63F0;
	v4 =	vld [tilespmem:s21+$0xFFFFFFB0]  }
0xec: {  	v5 =	vld [tilespmem:s6+$0x0]  }
0xed: {  	v6 =	vld [tilespmem:s21+$0xFFFFFFC0]  }
0xee: {  	v7 =	vld [tilespmem:s21+$0xFFFFFFD0]  }
0xef: {  	v8 =	vld [tilespmem:s21+$0xFFFFFFE0]  }
0xf0: {  	v9 =	vld [tilespmem:s23+$0x0]  }
0xf1: {  	v11 =	vld [tilespmem:s21+$0xFFFFFFF0]  }
0xf2: {  	v12 =	vld [tilespmem:s21+$0xFFFFFF90]  }
0xf3: {  	v13 =	vld [tilespmem:s22+$0xFFFFFF90]  }
0xf4: {  	v58 =	vld [tilespmem:s22+$0xFFFFFFA0]  }
0xf5: {  	v14 =	vld [tilespmem:s22+$0xFFFFFFB0]  }
0xf6: {  	v59 =	vld [tilespmem:s22+$0xFFFFFFC0]  }
0xf7: {  	v15 =	vld [tilespmem:s22+$0xFFFFFFD0]  }
0xf8: {  	v60 =	vld [tilespmem:s22+$0xFFFFFFE0]  }
0xf9: {  	v16 =	vld [tilespmem:s6+$0xFFFFFFA0]  }
0xfa: {  	v17 =	vld [tilespmem:s6+$0xFFFFFFB0]  }
0xfb: {  	v18 =	vld [tilespmem:s6+$0xFFFFFFC0]  }
0xfc: {  	v19 =	vld [tilespmem:s6+$0xFFFFFFD0]  }
0xfd: {  	v20 =	vld [tilespmem:s6+$0xFFFFFFE0]  }
0xfe: {  	v21 =	vld [tilespmem:s6+$0xFFFFFFF0]  }
0xff: {  	v22 =	vld [tilespmem:s23+$0xFFFFFF90]  }
0x100: {  	v23 =	vld [tilespmem:s23+$0xFFFFFFA0]  }
0x101: {  	v24 =	vld [tilespmem:s23+$0xFFFFFFB0]  }
0x102: {  	v25 =	vld [tilespmem:s23+$0xFFFFFFC0]  }
0x103: {  	v26 =	vld [tilespmem:s23+$0xFFFFFFD0]  }
0x104: {  	v27 =	vld [tilespmem:s23+$0xFFFFFFE0]  }
0x105: {  	v28 =	vld [tilespmem:s23+$0xFFFFFFF0]  }
0x106: {  	v1 =	vld.idx.msk [tilespmem:v1+s28+$0x0], $0xffff  }
0x107: {  	v10 =	vld.idx.msk [tilespmem:v3+s29+$0x0], $0xffff  }
0x108: {  	v5 =	vld.idx.msk [tilespmem:v5+s30+$0x0], $0xffff  }
0x109: {  	v12 =	vld.idx.msk [tilespmem:v12+s28+$0x0], $0xffff  }
0x10a: {  	v2 =	vld.idx.msk [tilespmem:v2+s28+$0x0], $0xffff  }
0x10b: {  	v4 =	vld.idx.msk [tilespmem:v4+s28+$0x0], $0xffff  }
0x10c: {  	v6 =	vld.idx.msk [tilespmem:v6+s28+$0x0], $0xffff;
	v1 =	vadd.f32 v1, v9  }
0x10d: {  	v7 =	vld.idx.msk [tilespmem:v7+s28+$0x0], $0xffff  }
0x10e: {  	v8 =	vld.idx.msk [tilespmem:v8+s28+$0x0], $0xffff;
	v1 =	vadd.f32 v10, v1  }
0x10f: {  	v11 =	vld.idx.msk [tilespmem:v11+s28+$0x0], $0xffff  }
0x110: {  	v29 =	vld.idx.msk [tilespmem:v13+s29+$0x0], $0xffff;
	v1 =	vadd.f32 v5, v1  }
0x111: {  	v30 =	vld.idx.msk [tilespmem:v58+s29+$0x0], $0xffff  }
0x112: {  	[tilespmem:v3+s1+$0x0] =	vst.idx.add.f32.msk $0xffff, v1  }
0x113: {  	v3 =	vld [tilespmem:s6+$0xFFFFFF90]  }
0x114: {  	v31 =	vld.idx.msk [tilespmem:v14+s29+$0x0], $0xffff  }
0x115: {  	v32 =	vld.idx.msk [tilespmem:v59+s29+$0x0], $0xffff  }
0x116: {  	v33 =	vld.idx.msk [tilespmem:v15+s29+$0x0], $0xffff  }
0x117: {  	v1 =	vld [tilespmem:s22+$0xFFFFFFF0]  }
0x118: {  	v34 =	vld.idx.msk [tilespmem:v60+s29+$0x0], $0xffff  }
0x119: {  	v16 =	vld.idx.msk [tilespmem:v16+s30+$0x0], $0xffff  }
0x11a: {  	v17 =	vld.idx.msk [tilespmem:v17+s30+$0x0], $0xffff;
	v12 =	vadd.f32 v12, v22  }
0x11b: {  	v2 =	vadd.f32 v2, v23;
	v4 =	vadd.f32 v4, v24;
	v3 =	vld.idx.msk [tilespmem:v3+s30+$0x0], $0xffff  }
0x11c: {  	v18 =	vld.idx.msk [tilespmem:v18+s30+$0x0], $0xffff;
	v6 =	vadd.f32 v6, v25;
	v7 =	vadd.f32 v7, v26  }
0x11d: {  	v19 =	vld.idx.msk [tilespmem:v19+s30+$0x0], $0xffff;
	v8 =	vadd.f32 v8, v27;
	v2 =	vadd.f32 v30, v2  }
0x11e: {  	v20 =	vld.idx.msk [tilespmem:v20+s30+$0x0], $0xffff;
	v11 =	vadd.f32 v11, v28;
	v12 =	vadd.f32 v29, v12  }
0x11f: {  	v6 =	vadd.f32 v32, v6;
	v2 =	vadd.f32 v16, v2;
	v35 =	vld.idx.msk [tilespmem:v1+s29+$0x0], $0xffff  }
0x120: {  	v61 =	vld.idx.msk [tilespmem:v21+s30+$0x0], $0xffff;
	v4 =	vadd.f32 v31, v4;
	v3 =	vadd.f32 v3, v12  }
0x121: {  	v62 =	vadd.f32 v34, v8;
	[tilespmem:v58+s1+$0x0] =	vst.idx.add.f32.msk $0xffff, v2;
	v2 =	vadd.f32 v18, v6  }
0x122: {  	v7 =	vadd.f32 v33, v7;
	[tilespmem:v13+s1+$0x0] =	vst.idx.add.f32.msk $0xffff, v3;
	v3 =	vadd.f32 v17, v4  }
0x123: {  	[tilespmem:v59+s1+$0x0] =	vst.idx.add.f32.msk $0xffff, v2;
	v4 =	vadd.f32 v20, v62  }
0x124: {  	v63 =	vadd.f32 v35, v11;
	[tilespmem:v14+s1+$0x0] =	vst.idx.add.f32.msk $0xffff, v3;
	v3 =	vadd.f32 v19, v7  }
0x125: {  	s31 =	simm.s32 $0x0;
	[tilespmem:v60+s1+$0x0] =	vst.idx.add.f32.msk $0xffff, v4  }
0x126: {  	s0 =	sadd.s32 $0x80, s21;
	s19 =	smov.u32 s22;
	s20 =	smov.u32 s23;
	v2 =	vadd.f32 v61, v63;
	[tilespmem:v15+s1+$0x0] =	vst.idx.add.f32.msk $0xffff, v3  }
.LBB2_8:
0x127: {  	v3 =	vld [tilespmem:s0+$0x0];
	s31 =	sadd.s32 $0x8, s31  }
0x128: {  	s19 =	sadd.s32 $0x80, s19;
	v4 =	vld [tilespmem:s0+$0xFFFFFFA0];
	p1 =	slt.u32 s31, $0x130  }
0x129: {  	v5 =	vld [tilespmem:s19+$0x0]  }
0x12a: {  	s6 =	sadd.s32 $0x80, s6;
	v6 =	vld [tilespmem:s0+$0xFFFFFFB0]  }
0x12b: {  	v7 =	vld [tilespmem:s6+$0x0]  }
0x12c: {  	v8 =	vld [tilespmem:s0+$0xFFFFFFC0]  }
0x12d: {  	v9 =	vld [tilespmem:s0+$0xFFFFFFD0]  }
0x12e: {  	v10 =	vld [tilespmem:s0+$0xFFFFFFE0]  }
0x12f: {  	s20 =	sadd.s32 $0x80, s20;
	v3 =	vld.idx.msk [tilespmem:v3+s28+$0x0], $0xffff  }
0x130: {  	v11 =	vld [tilespmem:s20+$0x0]  }
0x131: {  	v12 =	vld.idx.msk [tilespmem:v5+s29+$0x0], $0xffff  }
0x132: {  	v13 =	vld [tilespmem:s0+$0xFFFFFFF0]  }
0x133: {  	v7 =	vld.idx.msk [tilespmem:v7+s30+$0x0], $0xffff  }
0x134: {  	v14 =	vld [tilespmem:s0+$0xFFFFFF90]  }
0x135: {  	v15 =	vld [tilespmem:s19+$0xFFFFFF90];
	v3 =	vadd.f32 v3, v11  }
0x136: {  	v11 =	vld [tilespmem:s19+$0xFFFFFFA0]  }
0x137: {  	v16 =	vld [tilespmem:s19+$0xFFFFFFB0];
	v3 =	vadd.f32 v12, v3  }
0x138: {  	v12 =	vld [tilespmem:s19+$0xFFFFFFC0]  }
0x139: {  	v17 =	vld [tilespmem:s19+$0xFFFFFFD0];
	v3 =	vadd.f32 v7, v3  }
0x13a: {  	v7 =	vld [tilespmem:s19+$0xFFFFFFE0]  }
0x13b: {  	[tilespmem:v5+s1+$0x0] =	vst.idx.add.f32.msk $0xffff, v3  }
0x13c: {  	v3 =	vld [tilespmem:s19+$0xFFFFFFF0]  }
0x13d: {  	v5 =	vld [tilespmem:s6+$0xFFFFFF90]  }
0x13e: {  	v18 =	vld [tilespmem:s6+$0xFFFFFFA0]  }
0x13f: {  	v19 =	vld [tilespmem:s6+$0xFFFFFFB0]  }
0x140: {  	v20 =	vld [tilespmem:s6+$0xFFFFFFC0]  }
0x141: {  	v21 =	vld [tilespmem:s6+$0xFFFFFFD0]  }
0x142: {  	v22 =	vld [tilespmem:s6+$0xFFFFFFE0]  }
0x143: {  	v23 =	vld [tilespmem:s6+$0xFFFFFFF0]  }
0x144: {  	v14 =	vld.idx.msk [tilespmem:v14+s28+$0x0], $0xffff  }
0x145: {  	v4 =	vld.idx.msk [tilespmem:v4+s28+$0x0], $0xffff  }
0x146: {  	v6 =	vld.idx.msk [tilespmem:v6+s28+$0x0], $0xffff  }
0x147: {  	v8 =	vld.idx.msk [tilespmem:v8+s28+$0x0], $0xffff  }
0x148: {  	v9 =	vld.idx.msk [tilespmem:v9+s28+$0x0], $0xffff  }
0x149: {  	v10 =	vld.idx.msk [tilespmem:v10+s28+$0x0], $0xffff  }
0x14a: {  	v13 =	vld.idx.msk [tilespmem:v13+s28+$0x0], $0xffff  }
0x14b: {  	v24 =	vld [tilespmem:s20+$0xFFFFFF90]  }
0x14c: {  	v25 =	vld [tilespmem:s20+$0xFFFFFFA0]  }
0x14d: {  	v26 =	vld [tilespmem:s20+$0xFFFFFFB0]  }
0x14e: {  	v27 =	vld [tilespmem:s20+$0xFFFFFFC0]  }
0x14f: {  	v28 =	vld [tilespmem:s20+$0xFFFFFFD0]  }
0x150: {  	v14 =	vadd.f32 v14, v24;
	v24 =	vld [tilespmem:s20+$0xFFFFFFE0]  }
0x151: {  	v4 =	vadd.f32 v4, v25;
	v25 =	vld [tilespmem:s20+$0xFFFFFFF0]  }
0x152: {  	v29 =	vld.idx.msk [tilespmem:v15+s29+$0x0], $0xffff;
	v6 =	vadd.f32 v6, v26  }
0x153: {  	v26 =	vld.idx.msk [tilespmem:v11+s29+$0x0], $0xffff;
	v8 =	vadd.f32 v8, v27  }
0x154: {  	v27 =	vld.idx.msk [tilespmem:v16+s29+$0x0], $0xffff;
	v9 =	vadd.f32 v9, v28  }
0x155: {  	v28 =	vld.idx.msk [tilespmem:v12+s29+$0x0], $0xffff;
	v10 =	vadd.f32 v10, v24  }
0x156: {  	v24 =	vld.idx.msk [tilespmem:v17+s29+$0x0], $0xffff;
	v13 =	vadd.f32 v13, v25  }
0x157: {  	v25 =	vld.idx.msk [tilespmem:v7+s29+$0x0], $0xffff  }
0x158: {  	v14 =	vadd.f32 v29, v14;
	v29 =	vld.idx.msk [tilespmem:v3+s29+$0x0], $0xffff  }
0x159: {  	v4 =	vadd.f32 v26, v4;
	v5 =	vld.idx.msk [tilespmem:v5+s30+$0x0], $0xffff  }
0x15a: {  	v6 =	vadd.f32 v27, v6;
	v18 =	vld.idx.msk [tilespmem:v18+s30+$0x0], $0xffff  }
0x15b: {  	v8 =	vadd.f32 v28, v8;
	v19 =	vld.idx.msk [tilespmem:v19+s30+$0x0], $0xffff  }
0x15c: {  	v9 =	vadd.f32 v24, v9;
	v20 =	vld.idx.msk [tilespmem:v20+s30+$0x0], $0xffff  }
0x15d: {  	v10 =	vadd.f32 v25, v10;
	v21 =	vld.idx.msk [tilespmem:v21+s30+$0x0], $0xffff  }
0x15e: {  	v13 =	vadd.f32 v29, v13;
	v22 =	vld.idx.msk [tilespmem:v22+s30+$0x0], $0xffff  }
0x15f: {  	v5 =	vadd.f32 v5, v14;
	v14 =	vld.idx.msk [tilespmem:v23+s30+$0x0], $0xffff  }
0x160: {  	v4 =	vadd.f32 v18, v4;
	[tilespmem:v1+s1+$0x0] =	vst.idx.add.f32.msk $0xffff, v2;
	v1 =	vmov v3  }
0x161: {  	v2 =	vadd.f32 v19, v6;
	[tilespmem:v15+s1+$0x0] =	vst.idx.add.f32.msk $0xffff, v5  }
.Ltmp4:
0x162: {  	v3 =	vadd.f32 v20, v8;
	[tilespmem:v11+s1+$0x0] =	vst.idx.add.f32.msk $0xffff, v4;
	(pc) =	sbr.rel @p1 .LBB2_8-.Ltmp4, $4  }
0x163: {  	[tilespmem:v16+s1+$0x0] =	vst.idx.add.f32.msk $0xffff, v2;
	v2 =	vadd.f32 v21, v9  }
0x164: {  	[tilespmem:v12+s1+$0x0] =	vst.idx.add.f32.msk $0xffff, v3;
	v3 =	vadd.f32 v22, v10  }
0x165: {  	[tilespmem:v17+s1+$0x0] =	vst.idx.add.f32.msk $0xffff, v2;
	v2 =	vadd.f32 v14, v13  }
0x166: {  	s0 =	sadd.s32 $0x80, s0;
	[tilespmem:v7+s1+$0x0] =	vst.idx.add.f32.msk $0xffff, v3  }
0x167: {  	_ =	sdelay $0x3  }
0x168: {  	[tilespmem:v1+s1+$0x0] =	vst.idx.add.f32.msk $0xffff, v2  }
0x169: {  	v1 =	vld [tilespmem:s15+$0x0];
	_ =	sdelay $0x1  }
0x16a: {  	v2 =	vld [tilespmem:s15+$0x2800];
	_ =	sdelay $0x1  }
0x16b: {  	v3 =	vld [tilespmem:$0x7700];
	_ =	sdelay $0x2  }
0x16c: {  	v4 =	vld [tilespmem:s15+$0x7780]  }
0x16d: {  	v1 =	vld.idx.msk [tilespmem:v1+s28+$0x0], $0xffff;
	_ =	sdelay $0x1  }
0x16e: {  	v5 =	vld.idx.msk [tilespmem:v2+s29+$0x0], $0xffff;
	_ =	sdelay $0x1  }
0x16f: {  	v3 =	vld.idx.msk [tilespmem:v3+s30+$0x0], $0xffff  }
0x170: {  	v1 =	vadd.f32 v1, v4;
	_ =	sdelay $0x1  }
0x171: {  	v1 =	vadd.f32 v5, v1;
	_ =	sdelay $0x1  }
0x172: {  	s3 =	sadd.s32 $0x1, s3;
	v1 =	vadd.f32 v3, v1  }
0x173: {  	p1 =	sne.s32 s3, s17  }
.Ltmp5:
0x174: {  	s0 =	simm.s32 $0x80;
	s6 =	simm.s32 $0x400;
	[tilespmem:v2+s1+$0x0] =	vst.idx.add.f32.msk $0xffff, v1;
	(pc) =	sbr.rel @p1 .LBB2_1-.Ltmp5, $4  }
0x175: {  	[hbm4b:s16+s0] =	stream.strided.scatter [tilespmem:s1], [sflag:$0x3], $0x2780, s6, s0, $0x38;
	[tilespmem:$0x11680] =	vst v63  }
0x176: {  	_ =	swait.ge [sflag:s24], $0x2780  }
0x177: {  	[sflag:s24] =	ssyncset.done $0x0  }
0x178: {  	[sflag:s24] =	ssyncadd.s32 $0xFFFFD880  }
0x179: {  	_ =	sfence.sel $0x180000  }
0x17a: {  	[bflag:$0x0] =	sbarrier.arrive $0xFFFF  }
0x17b: {  	_ =	strace $0x90000047  }
0x17c: {  	s0 =	stileid.u32;
	[bflag:$0x2] =	sbarrier.arrive $0xFFFF  }
0x17d: {  	p0 =	sne.s32 s0, $0x0;
	s0 =	rddreg [dreg:$0x3]  }
0x17e: {  	s0 =	sadd.s32 @!p0 $0x100000, s0  }
0x17f: {  	[sflag:s0] =	ssyncadd.tile.s32 @!p0 $0x1;
	_ =	shalt  }
.Lfunc_end2:
_tile_overlayer_lowered:
.L_overlay_start_2:
0x180: {  	(tag) =	ssettag $0x2  }
0x181: {  	s0 =	rddreg [dreg:$0x0];
	s2 =	stileid.u32  }
0x182: {  	s1 =	rddreg [dreg:$0x1];
	p0 =	sne.s32 s2, $0x0  }
0x183: {  	s3 =	rddreg [dreg:$0x2];
	[bflag:$0x3] =	sbarrier.arrive $0xFFFF;
	s2 =	simm.s32 @!p0 $0x1C03  }
0x184: {  	[timem:s3], [sflag:s2] =	dma.local @!p0 [hbm:s0], s1  }
0x185: {  	s0 =	simm.s32 @!p0 $0x3  }
0x186: {  	_ =	swait.ge @!p0 [sflag:s0], s1  }
0x187: {  	s1 =	ssub.s32 @!p0 $0x0, s1;
	[sflag:s0] =	ssyncset.done @!p0 $0x0  }
0x188: {  	[sflag:s0] =	ssyncadd.s32 @!p0 s1  }
0x189: {  	[bflag:$0x3] =	sbarrier.arrive $0xFFFF  }
0x18a: {  	_ =	shalt  }

</sc_bundles>
